<compile_context>
chip_gen: v7x
topology: tpu7x:2x2x1
jax: 0.10.2.dev20260603
libtpu: 0.0.44.dev20260713+nightly
codegen_flags: <defaults>
</compile_context>

<pallas_src>
import dataclasses
import functools

import jax
import jax.numpy as jnp
from jax import lax
from jax.experimental import pallas as pl
from jax.experimental.pallas import tpu as pltpu
from jax.experimental.pallas import tpu_sc as plsc

N = 10000
D = 256
DH = 128
E = 160000
NC, NS = 2, 16
CHUNK = 128

E_PAD = 163840
CH_MAIN = E_PAD // (NS * CHUNK)
CH_DEG = E_PAD // (NC * NS * CHUNK)
CH_STAGE = CH_MAIN // 2
ACC_ROWS = N + 8
DEG_ROWS = 10240
R_FULL = 640
R_LAST = N - R_FULL * (NS - 1)

_mesh = plsc.VectorSubcoreMesh(core_axis_name="c", subcore_axis_name="s")

_cp = pltpu.CompilerParams()
for _f, _v in (("needs_layout_passes", False), ("use_tc_tiling_on_sc", False)):
    if _f in pltpu.CompilerParams.__dataclass_fields__:
        _cp = dataclasses.replace(_cp, **{_f: _v})


@functools.partial(
    pl.kernel,
    out_type=jax.ShapeDtypeStruct((NC, N, DH), jnp.float32),
    mesh=_mesh,
    scratch_types=[
        pltpu.VMEM((CH_DEG, CHUNK), jnp.int32),
        pltpu.VMEM((CHUNK, DH), jnp.float32),
        pltpu.VMEM_SHARED((DEG_ROWS, DH), jnp.float32),
    ],
)
def _sc_degree(dst_hbm, zeros_hbm, ones_hbm, out_hbm, dst_v, ones_v, acc):
    c = lax.axis_index("c")
    s = lax.axis_index("s")
    wid = c * NS + s
    off = pl.multiple_of(s * R_FULL, 8)
    pltpu.sync_copy(dst_hbm.at[wid], dst_v)
    pltpu.sync_copy(ones_hbm, ones_v)
    pltpu.sync_copy(zeros_hbm, acc.at[pl.ds(off, R_FULL)])
    plsc.subcore_barrier()

    @pl.loop(0, CH_DEG)
    def _(j):
        pltpu.sync_copy(ones_v, acc.at[dst_v.at[j]], add=True)

    plsc.subcore_barrier()

    @pl.when(s < NS - 1)
    def _():
        pltpu.sync_copy(acc.at[pl.ds(off, R_FULL)],
                        out_hbm.at[c, pl.ds(off, R_FULL)])

    @pl.when(s == NS - 1)
    def _():
        pltpu.sync_copy(acc.at[pl.ds((NS - 1) * R_FULL, R_LAST)],
                        out_hbm.at[c, pl.ds((NS - 1) * R_FULL, R_LAST)])


DW = DH // 2


def _convert_chunk(gbuf, fbuf):
    @pl.loop(0, CHUNK)
    def _(r):
        for g in range(DW // 16):
            w = gbuf[r, pl.ds(16 * g, 16)]
            ab = plsc.bitcast(w, jnp.bfloat16)
            a, b = plsc.unpack(ab, format=plsc.PackFormat.INTERLEAVED)
            fbuf[r, pl.ds(16 * g, 16)] = a
            fbuf[r, pl.ds(64 + 16 * g, 16)] = b


@functools.partial(
    pl.kernel,
    out_type=jax.ShapeDtypeStruct((NC * N, DH), jnp.float32),
    mesh=_mesh,
    scratch_types=[
        pltpu.VMEM((CH_STAGE, CHUNK), jnp.int32),
        pltpu.VMEM((CH_STAGE, CHUNK), jnp.int32),
        pltpu.VMEM((CHUNK, DW), jnp.int32),
        pltpu.VMEM((CHUNK, DW), jnp.int32),
        pltpu.VMEM((CHUNK, DH), jnp.float32),
        pltpu.VMEM_SHARED((ACC_ROWS, DH), jnp.float32),
        pltpu.SemaphoreType.DMA,
        pltpu.SemaphoreType.DMA,
        pltpu.SemaphoreType.DMA,
    ],
    compiler_params=_cp,
)
def _sc_gather_scatter(y_hbm, src_hbm, dst_hbm, out_hbm,
                       src_v, dst_v, buf_a, buf_b, fbuf, acc,
                       sem_a, sem_b, ssem):
    c = lax.axis_index("c")
    s = lax.axis_index("s")
    off = pl.multiple_of(s * R_FULL, 8)
    yoff = pl.multiple_of(c * N + s * R_FULL, 8)

    @pl.loop(0, CHUNK)
    def _(r):
        for g in range(DH // 16):
            fbuf[r, pl.ds(16 * g, 16)] = jnp.zeros((16,), jnp.float32)

    @pl.when(s < NS - 1)
    def _():
        for k in range(R_FULL // CHUNK):
            pltpu.sync_copy(fbuf, acc.at[pl.ds(off + k * CHUNK, CHUNK)])

    @pl.when(s == NS - 1)
    def _():
        base = (NS - 1) * R_FULL
        for k in range(R_LAST // CHUNK):
            pltpu.sync_copy(fbuf, acc.at[pl.ds(base + k * CHUNK, CHUNK)])
        rem = R_LAST % CHUNK
        if rem:
            pltpu.sync_copy(fbuf.at[pl.ds(0, rem)],
                            acc.at[pl.ds(base + (R_LAST // CHUNK) * CHUNK,
                                         rem)])

    plsc.subcore_barrier()

    wid = c * NS + s
    for t in range(CH_MAIN // CH_STAGE):
        pltpu.sync_copy(src_hbm.at[wid, pl.ds(t * CH_STAGE, CH_STAGE)], src_v)
        pltpu.sync_copy(dst_hbm.at[s, pl.ds(t * CH_STAGE, CH_STAGE)], dst_v)
        pltpu.async_copy(y_hbm.at[src_v.at[0]], buf_a, sem_a).wait()

        @pl.loop(0, CH_STAGE - 1)
        def _(j):
            even = j % 2 == 0

            @pl.when(even)
            def _():
                pltpu.async_copy(y_hbm.at[src_v.at[j + 1]], buf_b, sem_b)
                _convert_chunk(buf_a, fbuf)
                pltpu.sync_copy(fbuf, acc.at[dst_v.at[j]], add=True)
                pltpu.make_async_copy(
                    y_hbm.at[src_v.at[j + 1]], buf_b, sem_b).wait()

            @pl.when(jnp.logical_not(even))
            def _():
                pltpu.async_copy(y_hbm.at[src_v.at[j + 1]], buf_a, sem_a)
                _convert_chunk(buf_b, fbuf)
                pltpu.sync_copy(fbuf, acc.at[dst_v.at[j]], add=True)
                pltpu.make_async_copy(
                    y_hbm.at[src_v.at[j + 1]], buf_a, sem_a).wait()

        last = CH_STAGE - 1
        if last % 2 == 0:
            _convert_chunk(buf_a, fbuf)
        else:
            _convert_chunk(buf_b, fbuf)
        pltpu.sync_copy(fbuf, acc.at[dst_v.at[last]], add=True)

    plsc.subcore_barrier()

    @pl.when(s < NS - 1)
    def _():
        pltpu.sync_copy(acc.at[pl.ds(off, R_FULL)],
                        out_hbm.at[pl.ds(yoff, R_FULL)])

    @pl.when(s == NS - 1)
    def _():
        pltpu.sync_copy(acc.at[pl.ds((NS - 1) * R_FULL, R_LAST)],
                        out_hbm.at[pl.ds(c * N + (NS - 1) * R_FULL, R_LAST)])


_RB = 1000


def _tc_matmul(x, W):
    def body(x_ref, w_ref, o_ref):
        o_ref[...] = jnp.dot(x_ref[...], w_ref[...],
                             preferred_element_type=jnp.float32)

    return pl.pallas_call(
        body,
        grid=(N // _RB,),
        in_specs=[pl.BlockSpec((_RB, D), lambda r: (r, 0)),
                  pl.BlockSpec((D, D), lambda r: (0, 0))],
        out_specs=pl.BlockSpec((_RB, D), lambda r: (r, 0)),
        out_shape=jax.ShapeDtypeStruct((N, D), jnp.float32),
    )(x, W)


def _tc_scale(hist, x_lin):
    def body(h_ref, x_ref, y_ref):
        deg = 1.0 + h_ref[0, :, 0:1] + h_ref[1, :, 0:1]
        dis = lax.rsqrt(deg)
        y = x_ref[...] * dis
        for cix in range(NC):
            h = y[:, cix * DH:(cix + 1) * DH]
            lo = lax.bitcast_convert_type(
                h[:, :DW].astype(jnp.bfloat16), jnp.uint16).astype(jnp.uint32)
            hi = lax.bitcast_convert_type(
                h[:, DW:].astype(jnp.bfloat16), jnp.uint16).astype(jnp.uint32)
            y_ref[cix] = lax.bitcast_convert_type(lo | (hi << 16), jnp.int32)

    return pl.pallas_call(
        body,
        grid=(N // _RB,),
        in_specs=[pl.BlockSpec((NC, _RB, DH), lambda r: (0, r, 0)),
                  pl.BlockSpec((_RB, D), lambda r: (r, 0))],
        out_specs=pl.BlockSpec((NC, _RB, DW), lambda r: (0, r, 0)),
        out_shape=jax.ShapeDtypeStruct((NC, N, DW), jnp.int32),
    )(hist, x_lin)


def _tc_combine(acc, hist, x_lin, b2):
    def body(a0_ref, a1_ref, h_ref, x_ref, b_ref, o_ref):
        deg = 1.0 + h_ref[0, :, 0:1] + h_ref[1, :, 0:1]
        dis = lax.rsqrt(deg)
        o_ref[...] = (jnp.concatenate(
            [a0_ref[...] * dis, a1_ref[...] * dis], axis=1)
            + x_ref[...] * (1.0 / deg) + b_ref[...])

    return pl.pallas_call(
        body,
        grid=(N // _RB,),
        in_specs=[pl.BlockSpec((_RB, DH), lambda r: (r, 0)),
                  pl.BlockSpec((_RB, DH), lambda r: (N // _RB + r, 0)),
                  pl.BlockSpec((NC, _RB, DH), lambda r: (0, r, 0)),
                  pl.BlockSpec((_RB, D), lambda r: (r, 0)),
                  pl.BlockSpec((1, D), lambda r: (0, 0))],
        out_specs=pl.BlockSpec((_RB, D), lambda r: (r, 0)),
        out_shape=jax.ShapeDtypeStruct((N, D), jnp.float32),
    )(acc, acc, hist, x_lin, b2)


def kernel(x, edge_index, W, b):
    src = edge_index[0]
    dst = edge_index[1]
    pad = E_PAD - E
    src_p = jnp.concatenate([src, jnp.zeros((pad,), jnp.int32)])
    dst_p = jnp.concatenate([dst, jnp.full((pad,), N, jnp.int32)])
    src_l = src_p.reshape(NS, CH_MAIN, CHUNK)
    src2 = jnp.concatenate([src_l, src_l + N], axis=0)
    dst_main = dst_p.reshape(NS, CH_MAIN, CHUNK)
    dst_deg = dst_p.reshape(NC * NS, CH_DEG, CHUNK)
    ones = jnp.ones((CHUNK, DH), jnp.float32)
    zeros = jnp.zeros((R_FULL, DH), jnp.float32)

    hist = _sc_degree(dst_deg, zeros, ones)
    x_lin = _tc_matmul(x, W)
    y = _tc_scale(hist, x_lin)
    acc = _sc_gather_scatter(y.reshape(NC * N, DW), src2, dst_main)
    return _tc_combine(acc, hist, x_lin, b.reshape(1, D))

# --- scband reference (transcript-rebuilt; emitter-appended) ---
"""Pipeline reference for scband-expander-gcn-77094662963225 (READ-ONLY COPY).

The authoritative reference and input builder live on the scoring server;
editing this copy changes nothing except your own understanding.
"""

import jax, jax.numpy as jnp
import numpy as np

N_NODES = 10000
N_EDGES = 160000
D_IN = 256
D_OUT = 256


def setup_inputs(seed: int = 0) -> dict:
    key = jax.random.key(seed)
    k1, k2, k3 = jax.random.split(key, 3)
    x = jax.random.normal(k1, (N_NODES, D_IN), dtype=jnp.float32)
    edge_index = jax.random.randint(k2, (2, N_EDGES), 0, N_NODES, dtype=jnp.int32)
    # GCNConv learned parameters: linear weight (glorot-ish scale) and bias
    W = jax.random.normal(k3, (D_IN, D_OUT), dtype=jnp.float32) * (1.0 / np.sqrt(D_IN))
    b = jnp.zeros((D_OUT,), dtype=jnp.float32)
    return {"x": x, "edge_index": edge_index, "W": W, "b": b}


def reference(x, edge_index, W, b):
    # Faithful GCNConv (PyG defaults): add self-loops, symmetric normalization,
    # linear transform, sum aggregation, bias.
    N = x.shape[0]
    src = edge_index[0]
    dst = edge_index[1]
    loop = jnp.arange(N, dtype=src.dtype)
    src = jnp.concatenate([src, loop])
    dst = jnp.concatenate([dst, loop])
    # degree computed on destination nodes (edge_weight == 1)
    deg = jnp.zeros((N,), dtype=jnp.float32).at[dst].add(1.0)
    deg_inv_sqrt = jnp.where(deg > 0, 1.0 / jnp.sqrt(deg), 0.0)
    norm = deg_inv_sqrt[src] * deg_inv_sqrt[dst]
    x_lin = x @ W
    msg = x_lin[src] * norm[:, None]
    out = jnp.zeros((N, W.shape[1]), dtype=x.dtype).at[dst].add(msg)
    return out + b

if __name__ == "__main__":
    import jax
    _d = setup_inputs()
    print(jax.jit(kernel)(*tuple(_d.values())))

</pallas_src>

<mosaic_0001>
#map = affine_map<(d0, d1) -> (0, 0, 0)>
#map1 = affine_map<(d0, d1) -> (0, 0)>
module attributes {stable_mosaic.version = 14 : i64} {
  func.func @_sc_degree(%arg0: i32, %arg1: i32, %arg2: memref<32x40x128xi32, #tpu.memory_space<hbm>>, %arg3: memref<640x128xf32, #tpu.memory_space<hbm>>, %arg4: memref<128x128xf32, #tpu.memory_space<hbm>>, %arg5: memref<2x10000x128xf32, #tpu.memory_space<hbm>>, %arg6: memref<40x128xi32, #tpu.memory_space<vmem>>, %arg7: memref<128x128xf32, #tpu.memory_space<vmem>>, %arg8: memref<10240x128xf32, #tpu.memory_space<vmem_shared>>) attributes {dimension_semantics = [#tpu.dimension_semantics<core_parallel>, #tpu.dimension_semantics<subcore_parallel>], iteration_bounds = array<i64: 2, 16>, scalar_prefetch = 0 : i64, scratch_operands = 3 : i64, tpu.core_type = #tpu.core_type<sc_vector_subcore>, window_params = [{transform_indices = #map}, {transform_indices = #map1}, {transform_indices = #map1}, {transform_indices = #map}]} {
    %mul3A = arith.constant 16 : i32
    %mul3A_0 = arith.muli %arg0, %mul3A : i32
    %add3A = arith.addi %mul3A_0, %arg1 : i32
    %mul3A_1 = arith.constant 640 : i32
    %mul3A_2 = arith.muli %arg1, %mul3A_1 : i32
    %multiple_of3A = tpu.assume_multiple %mul3A_2, 8 : i32
    "tpu.region"() ({
      %run_scoped3A = tpu.sem_alloc : memref<!tpu.dma_semaphore, #tpu.memory_space<semaphore_mem>>
      %dma_start3A = arith.constant 0 : i32
      %dma_start3A_14 = arith.constant 0 : i32
      %dma_start3A_15 = tpu.memref_slice %arg2[%add3A, %dma_start3A, %dma_start3A_14] : memref<32x40x128xi32, #tpu.memory_space<hbm>> -> memref<1x40x128xi32, #tpu.memory_space<hbm>>
      %dma_start3A_16 = tpu.memref_squeeze %dma_start3A_15 : memref<1x40x128xi32, #tpu.memory_space<hbm>> -> memref<40x128xi32, #tpu.memory_space<hbm>>
      %dma_start3A_17 = arith.constant 0 : i32
      %dma_start3A_18 = arith.constant 0 : i32
      %dma_start3A_19 = tpu.memref_slice %arg2[%add3A, %dma_start3A_17, %dma_start3A_18] : memref<32x40x128xi32, #tpu.memory_space<hbm>> -> memref<1x40x128xi32, #tpu.memory_space<hbm>>
      %dma_start3A_20 = tpu.memref_squeeze %dma_start3A_19 : memref<1x40x128xi32, #tpu.memory_space<hbm>> -> memref<40x128xi32, #tpu.memory_space<hbm>>
      tpu.enqueue_dma source(%dma_start3A_20 : memref<40x128xi32, #tpu.memory_space<hbm>>) target(%arg6 : memref<40x128xi32, #tpu.memory_space<vmem>>) target_semaphore(%run_scoped3A : memref<!tpu.dma_semaphore, #tpu.memory_space<semaphore_mem>>)
      %dma_wait3A = arith.constant 0 : i32
      %dma_wait3A_21 = arith.constant 0 : i32
      %dma_wait3A_22 = tpu.memref_slice %arg2[%add3A, %dma_wait3A, %dma_wait3A_21] : memref<32x40x128xi32, #tpu.memory_space<hbm>> -> memref<1x40x128xi32, #tpu.memory_space<hbm>>
      %dma_wait3A_23 = tpu.memref_squeeze %dma_wait3A_22 : memref<1x40x128xi32, #tpu.memory_space<hbm>> -> memref<40x128xi32, #tpu.memory_space<hbm>>
      %dma_wait3A_24 = arith.constant 0 : i32
      %dma_wait3A_25 = arith.constant 0 : i32
      %dma_wait3A_26 = tpu.memref_slice %arg2[%add3A, %dma_wait3A_24, %dma_wait3A_25] : memref<32x40x128xi32, #tpu.memory_space<hbm>> -> memref<1x40x128xi32, #tpu.memory_space<hbm>>
      %dma_wait3A_27 = tpu.memref_squeeze %dma_wait3A_26 : memref<1x40x128xi32, #tpu.memory_space<hbm>> -> memref<40x128xi32, #tpu.memory_space<hbm>>
      tpu.wait_dma2 semaphore(%run_scoped3A : memref<!tpu.dma_semaphore, #tpu.memory_space<semaphore_mem>>) src(%dma_wait3A_27 : memref<40x128xi32, #tpu.memory_space<hbm>>) dst(%arg6 : memref<40x128xi32, #tpu.memory_space<vmem>>)
      tpu.yield
    }) : () -> ()
    "tpu.region"() ({
      %run_scoped3A = tpu.sem_alloc : memref<!tpu.dma_semaphore, #tpu.memory_space<semaphore_mem>>
      tpu.enqueue_dma source(%arg4 : memref<128x128xf32, #tpu.memory_space<hbm>>) target(%arg7 : memref<128x128xf32, #tpu.memory_space<vmem>>) target_semaphore(%run_scoped3A : memref<!tpu.dma_semaphore, #tpu.memory_space<semaphore_mem>>)
      tpu.wait_dma2 semaphore(%run_scoped3A : memref<!tpu.dma_semaphore, #tpu.memory_space<semaphore_mem>>) src(%arg4 : memref<128x128xf32, #tpu.memory_space<hbm>>) dst(%arg7 : memref<128x128xf32, #tpu.memory_space<vmem>>)
      tpu.yield
    }) : () -> ()
    "tpu.region"() ({
      %run_scoped3A = tpu.sem_alloc : memref<!tpu.dma_semaphore, #tpu.memory_space<semaphore_mem>>
      %dma_start3A = arith.constant 0 : i32
      %dma_start3A_14 = tpu.memref_slice %arg8[%multiple_of3A, %dma_start3A] : memref<10240x128xf32, #tpu.memory_space<vmem_shared>> -> memref<640x128xf32, #tpu.memory_space<vmem_shared>>
      tpu.enqueue_dma source(%arg3 : memref<640x128xf32, #tpu.memory_space<hbm>>) target(%dma_start3A_14 : memref<640x128xf32, #tpu.memory_space<vmem_shared>>) target_semaphore(%run_scoped3A : memref<!tpu.dma_semaphore, #tpu.memory_space<semaphore_mem>>)
      %dma_wait3A = arith.constant 0 : i32
      %dma_wait3A_15 = tpu.memref_slice %arg8[%multiple_of3A, %dma_wait3A] : memref<10240x128xf32, #tpu.memory_space<vmem_shared>> -> memref<640x128xf32, #tpu.memory_space<vmem_shared>>
      tpu.wait_dma2 semaphore(%run_scoped3A : memref<!tpu.dma_semaphore, #tpu.memory_space<semaphore_mem>>) src(%arg3 : memref<640x128xf32, #tpu.memory_space<hbm>>) dst(%dma_wait3A_15 : memref<640x128xf32, #tpu.memory_space<vmem_shared>>)
      tpu.yield
    }) : () -> ()
    %barrier3A = arith.constant 0 : index
    tpu.barrier barrier_id(%barrier3A)
    %scan3A = arith.constant 0 : i32
    %scan3A_3 = arith.constant 40 : i32
    %scan3A_4 = arith.addi %scan3A, %scan3A_3 : i32
    %scan3A_5 = arith.constant 1 : i32
    scf.for %scan3A_14 = %scan3A to %scan3A_4 step %scan3A_5  : i32 {
      %mul3A_15 = arith.constant 1 : i32
      %mul3A_16 = arith.muli %scan3A_14, %mul3A_15 : i32
      %add3A_17 = arith.constant 0 : i32
      %add3A_18 = arith.addi %add3A_17, %mul3A_16 : i32
      "tpu.region"() ({
        %run_scoped3A = tpu.sem_alloc : memref<!tpu.dma_semaphore, #tpu.memory_space<semaphore_mem>>
        %dma_start3A = arith.constant 0 : i32
        %dma_start3A_19 = tpu.memref_slice %arg6[%add3A_18, %dma_start3A] : memref<40x128xi32, #tpu.memory_space<vmem>> -> memref<1x128xi32, #tpu.memory_space<vmem>>
        %dma_start3A_20 = tpu.memref_squeeze %dma_start3A_19 : memref<1x128xi32, #tpu.memory_space<vmem>> -> memref<128xi32, #tpu.memory_space<vmem>>
        %dma_start3A_21 = arith.constant 0 : i32
        %dma_start3A_22 = arith.constant 0 : i32
        %dma_start3A_23 = tpu.memref_slice %arg8[%dma_start3A_21, %dma_start3A_22] : memref<10240x128xf32, #tpu.memory_space<vmem_shared>> -> memref<10240x128xf32, #tpu.memory_space<vmem_shared>>
        tpu.enqueue_indirect_dma source(%arg7 : memref<128x128xf32, #tpu.memory_space<vmem>>) target(%dma_start3A_23 : memref<10240x128xf32, #tpu.memory_space<vmem_shared>>) offsets(%dma_start3A_20 : memref<128xi32, #tpu.memory_space<vmem>>) semaphore(%run_scoped3A : memref<!tpu.dma_semaphore, #tpu.memory_space<semaphore_mem>>) {add = true}
        %dma_wait3A = arith.constant 0 : i32
        %dma_wait3A_24 = tpu.memref_slice %arg6[%add3A_18, %dma_wait3A] : memref<40x128xi32, #tpu.memory_space<vmem>> -> memref<1x128xi32, #tpu.memory_space<vmem>>
        %dma_wait3A_25 = tpu.memref_squeeze %dma_wait3A_24 : memref<1x128xi32, #tpu.memory_space<vmem>> -> memref<128xi32, #tpu.memory_space<vmem>>
        %dma_wait3A_26 = arith.constant 0 : i32
        %dma_wait3A_27 = arith.constant 0 : i32
        %dma_wait3A_28 = tpu.memref_slice %arg8[%dma_wait3A_26, %dma_wait3A_27] : memref<10240x128xf32, #tpu.memory_space<vmem_shared>> -> memref<10240x128xf32, #tpu.memory_space<vmem_shared>>
        tpu.wait_indirect_dma semaphore(%run_scoped3A : memref<!tpu.dma_semaphore, #tpu.memory_space<semaphore_mem>>) src(%arg7 : memref<128x128xf32, #tpu.memory_space<vmem>>) dst(%dma_wait3A_28 : memref<10240x128xf32, #tpu.memory_space<vmem_shared>>)
        tpu.yield
      }) : () -> ()
    }
    %scan3A_6 = arith.constant 40 : i32
    %barrier3A_7 = arith.constant 0 : index
    tpu.barrier barrier_id(%barrier3A_7)
    %lt3A = arith.constant 15 : i32
    %lt3A_8 = arith.cmpi slt, %arg1, %lt3A : i32
    %convert_element_type3A = arith.extui %lt3A_8 : i1 to i32
    %cond3A = arith.constant 0 : i32
    %cond3A_9 = arith.cmpi ne, %convert_element_type3A, %cond3A : i32
    scf.if %cond3A_9 {
      "tpu.region"() ({
        %run_scoped3A = tpu.sem_alloc : memref<!tpu.dma_semaphore, #tpu.memory_space<semaphore_mem>>
        %dma_start3A = arith.constant 0 : i32
        %dma_start3A_14 = tpu.memref_slice %arg5[%arg0, %multiple_of3A, %dma_start3A] : memref<2x10000x128xf32, #tpu.memory_space<hbm>> -> memref<1x640x128xf32, #tpu.memory_space<hbm>>
        %dma_start3A_15 = tpu.memref_squeeze %dma_start3A_14 : memref<1x640x128xf32, #tpu.memory_space<hbm>> -> memref<640x128xf32, #tpu.memory_space<hbm>>
        %dma_start3A_16 = arith.constant 0 : i32
        %dma_start3A_17 = tpu.memref_slice %arg8[%multiple_of3A, %dma_start3A_16] : memref<10240x128xf32, #tpu.memory_space<vmem_shared>> -> memref<640x128xf32, #tpu.memory_space<vmem_shared>>
        tpu.enqueue_dma source(%dma_start3A_17 : memref<640x128xf32, #tpu.memory_space<vmem_shared>>) target(%dma_start3A_15 : memref<640x128xf32, #tpu.memory_space<hbm>>) target_semaphore(%run_scoped3A : memref<!tpu.dma_semaphore, #tpu.memory_space<semaphore_mem>>)
        %dma_wait3A = arith.constant 0 : i32
        %dma_wait3A_18 = tpu.memref_slice %arg5[%arg0, %multiple_of3A, %dma_wait3A] : memref<2x10000x128xf32, #tpu.memory_space<hbm>> -> memref<1x640x128xf32, #tpu.memory_space<hbm>>
        %dma_wait3A_19 = tpu.memref_squeeze %dma_wait3A_18 : memref<1x640x128xf32, #tpu.memory_space<hbm>> -> memref<640x128xf32, #tpu.memory_space<hbm>>
        %dma_wait3A_20 = arith.constant 0 : i32
        %dma_wait3A_21 = tpu.memref_slice %arg8[%multiple_of3A, %dma_wait3A_20] : memref<10240x128xf32, #tpu.memory_space<vmem_shared>> -> memref<640x128xf32, #tpu.memory_space<vmem_shared>>
        tpu.wait_dma2 semaphore(%run_scoped3A : memref<!tpu.dma_semaphore, #tpu.memory_space<semaphore_mem>>) src(%dma_wait3A_21 : memref<640x128xf32, #tpu.memory_space<vmem_shared>>) dst(%dma_wait3A_19 : memref<640x128xf32, #tpu.memory_space<hbm>>)
        tpu.yield
      }) : () -> ()
    } else {
    }
    %eq3A = arith.constant 15 : i32
    %eq3A_10 = arith.cmpi eq, %arg1, %eq3A : i32
    %convert_element_type3A_11 = arith.extui %eq3A_10 : i1 to i32
    %cond3A_12 = arith.constant 0 : i32
    %cond3A_13 = arith.cmpi ne, %convert_element_type3A_11, %cond3A_12 : i32
    scf.if %cond3A_13 {
      "tpu.region"() ({
        %run_scoped3A = tpu.sem_alloc : memref<!tpu.dma_semaphore, #tpu.memory_space<semaphore_mem>>
        %dma_start3A = arith.constant 9600 : i32
        %dma_start3A_14 = arith.constant 0 : i32
        %dma_start3A_15 = tpu.memref_slice %arg5[%arg0, %dma_start3A, %dma_start3A_14] : memref<2x10000x128xf32, #tpu.memory_space<hbm>> -> memref<1x400x128xf32, #tpu.memory_space<hbm>>
        %dma_start3A_16 = tpu.memref_squeeze %dma_start3A_15 : memref<1x400x128xf32, #tpu.memory_space<hbm>> -> memref<400x128xf32, #tpu.memory_space<hbm>>
        %dma_start3A_17 = arith.constant 9600 : i32
        %dma_start3A_18 = arith.constant 0 : i32
        %dma_start3A_19 = tpu.memref_slice %arg8[%dma_start3A_17, %dma_start3A_18] : memref<10240x128xf32, #tpu.memory_space<vmem_shared>> -> memref<400x128xf32, #tpu.memory_space<vmem_shared>>
        tpu.enqueue_dma source(%dma_start3A_19 : memref<400x128xf32, #tpu.memory_space<vmem_shared>>) target(%dma_start3A_16 : memref<400x128xf32, #tpu.memory_space<hbm>>) target_semaphore(%run_scoped3A : memref<!tpu.dma_semaphore, #tpu.memory_space<semaphore_mem>>)
        %dma_wait3A = arith.constant 9600 : i32
        %dma_wait3A_20 = arith.constant 0 : i32
        %dma_wait3A_21 = tpu.memref_slice %arg5[%arg0, %dma_wait3A, %dma_wait3A_20] : memref<2x10000x128xf32, #tpu.memory_space<hbm>> -> memref<1x400x128xf32, #tpu.memory_space<hbm>>
        %dma_wait3A_22 = tpu.memref_squeeze %dma_wait3A_21 : memref<1x400x128xf32, #tpu.memory_space<hbm>> -> memref<400x128xf32, #tpu.memory_space<hbm>>
        %dma_wait3A_23 = arith.constant 9600 : i32
        %dma_wait3A_24 = arith.constant 0 : i32
        %dma_wait3A_25 = tpu.memref_slice %arg8[%dma_wait3A_23, %dma_wait3A_24] : memref<10240x128xf32, #tpu.memory_space<vmem_shared>> -> memref<400x128xf32, #tpu.memory_space<vmem_shared>>
        tpu.wait_dma2 semaphore(%run_scoped3A : memref<!tpu.dma_semaphore, #tpu.memory_space<semaphore_mem>>) src(%dma_wait3A_25 : memref<400x128xf32, #tpu.memory_space<vmem_shared>>) dst(%dma_wait3A_22 : memref<400x128xf32, #tpu.memory_space<hbm>>)
        tpu.yield
      }) : () -> ()
    } else {
    }
    return
  }
}

#map = affine_map<(d0, d1) -> (0, 0)>
#map1 = affine_map<(d0, d1) -> (0, 0, 0)>
module attributes {stable_mosaic.version = 14 : i64} {
  func.func @_sc_gather_scatter(%arg0: i32, %arg1: i32, %arg2: memref<20000x64xi32, #tpu.memory_space<hbm>>, %arg3: memref<32x80x128xi32, #tpu.memory_space<hbm>>, %arg4: memref<16x80x128xi32, #tpu.memory_space<hbm>>, %arg5: memref<20000x128xf32, #tpu.memory_space<hbm>>, %arg6: memref<40x128xi32, #tpu.memory_space<vmem>>, %arg7: memref<40x128xi32, #tpu.memory_space<vmem>>, %arg8: memref<128x64xi32, #tpu.memory_space<vmem>>, %arg9: memref<128x64xi32, #tpu.memory_space<vmem>>, %arg10: memref<128x128xf32, #tpu.memory_space<vmem>>, %arg11: memref<10008x128xf32, #tpu.memory_space<vmem_shared>>, %arg12: memref<!tpu.dma_semaphore, #tpu.memory_space<semaphore_mem>>, %arg13: memref<!tpu.dma_semaphore, #tpu.memory_space<semaphore_mem>>, %arg14: memref<!tpu.dma_semaphore, #tpu.memory_space<semaphore_mem>>) attributes {dimension_semantics = [#tpu.dimension_semantics<core_parallel>, #tpu.dimension_semantics<subcore_parallel>], iteration_bounds = array<i64: 2, 16>, scalar_prefetch = 0 : i64, scratch_operands = 9 : i64, tpu.core_type = #tpu.core_type<sc_vector_subcore>, window_params = [{transform_indices = #map}, {transform_indices = #map1}, {transform_indices = #map1}, {transform_indices = #map}]} {
    %mul3A = arith.constant 640 : i32
    %mul3A_0 = arith.muli %arg1, %mul3A : i32
    %multiple_of3A = tpu.assume_multiple %mul3A_0, 8 : i32
    %mul3A_1 = arith.constant 10000 : i32
    %mul3A_2 = arith.muli %arg0, %mul3A_1 : i32
    %mul3A_3 = arith.constant 640 : i32
    %mul3A_4 = arith.muli %arg1, %mul3A_3 : i32
    %add3A = arith.addi %mul3A_2, %mul3A_4 : i32
    %multiple_of3A_5 = tpu.assume_multiple %add3A, 8 : i32
    %scan3A = arith.constant 0 : i32
    %scan3A_6 = arith.constant 128 : i32
    %scan3A_7 = arith.addi %scan3A, %scan3A_6 : i32
    %scan3A_8 = arith.constant 1 : i32
    scf.for %scan3A_77 = %scan3A to %scan3A_7 step %scan3A_8  : i32 {
      %mul3A_78 = arith.constant 1 : i32
      %mul3A_79 = arith.muli %scan3A_77, %mul3A_78 : i32
      %add3A_80 = arith.constant 0 : i32
      %add3A_81 = arith.addi %add3A_80, %mul3A_79 : i32
      %broadcast_in_dim3A = arith.constant 0.000000e+00 : f32
      %broadcast_in_dim3A_82 = vector.broadcast %broadcast_in_dim3A : f32 to vector<16xf32>
      %swap3A = arith.index_cast %add3A_81 : i32 to index
      %swap3A_83 = arith.constant 0 : index
      %swap3A_84 = tpu.vector_load %arg10[%swap3A, %swap3A_83] {strides = array<i32>} : memref<128x128xf32, #tpu.memory_space<vmem>>, vector<16xf32>,
      tpu.vector_store %arg10[%swap3A, %swap3A_83], %broadcast_in_dim3A_82 {strides = array<i32>} : memref<128x128xf32, #tpu.memory_space<vmem>>, vector<16xf32>,
      %broadcast_in_dim3A_85 = arith.constant 0.000000e+00 : f32
      %broadcast_in_dim3A_86 = vector.broadcast %broadcast_in_dim3A_85 : f32 to vector<16xf32>
      %swap3A_87 = arith.index_cast %add3A_81 : i32 to index
      %swap3A_88 = arith.constant 16 : index
      %swap3A_89 = tpu.vector_load %arg10[%swap3A_87, %swap3A_88] {strides = array<i32>} : memref<128x128xf32, #tpu.memory_space<vmem>>, vector<16xf32>,
      tpu.vector_store %arg10[%swap3A_87, %swap3A_88], %broadcast_in_dim3A_86 {strides = array<i32>} : memref<128x128xf32, #tpu.memory_space<vmem>>, vector<16xf32>,
      %broadcast_in_dim3A_90 = arith.constant 0.000000e+00 : f32
      %broadcast_in_dim3A_91 = vector.broadcast %broadcast_in_dim3A_90 : f32 to vector<16xf32>
      %swap3A_92 = arith.index_cast %add3A_81 : i32 to index
      %swap3A_93 = arith.constant 32 : index
      %swap3A_94 = tpu.vector_load %arg10[%swap3A_92, %swap3A_93] {strides = array<i32>} : memref<128x128xf32, #tpu.memory_space<vmem>>, vector<16xf32>,
      tpu.vector_store %arg10[%swap3A_92, %swap3A_93], %broadcast_in_dim3A_91 {strides = array<i32>} : memref<128x128xf32, #tpu.memory_space<vmem>>, vector<16xf32>,
      %broadcast_in_dim3A_95 = arith.constant 0.000000e+00 : f32
      %broadcast_in_dim3A_96 = vector.broadcast %broadcast_in_dim3A_95 : f32 to vector<16xf32>
      %swap3A_97 = arith.index_cast %add3A_81 : i32 to index
      %swap3A_98 = arith.constant 48 : index
      %swap3A_99 = tpu.vector_load %arg10[%swap3A_97, %swap3A_98] {strides = array<i32>} : memref<128x128xf32, #tpu.memory_space<vmem>>, vector<16xf32>,
      tpu.vector_store %arg10[%swap3A_97, %swap3A_98], %broadcast_in_dim3A_96 {strides = array<i32>} : memref<128x128xf32, #tpu.memory_space<vmem>>, vector<16xf32>,
      %broadcast_in_dim3A_100 = arith.constant 0.000000e+00 : f32
      %broadcast_in_dim3A_101 = vector.broadcast %broadcast_in_dim3A_100 : f32 to vector<16xf32>
      %swap3A_102 = arith.index_cast %add3A_81 : i32 to index
      %swap3A_103 = arith.constant 64 : index
      %swap3A_104 = tpu.vector_load %arg10[%swap3A_102, %swap3A_103] {strides = array<i32>} : memref<128x128xf32, #tpu.memory_space<vmem>>, vector<16xf32>,
      tpu.vector_store %arg10[%swap3A_102, %swap3A_103], %broadcast_in_dim3A_101 {strides = array<i32>} : memref<128x128xf32, #tpu.memory_space<vmem>>, vector<16xf32>,
      %broadcast_in_dim3A_105 = arith.constant 0.000000e+00 : f32
      %broadcast_in_dim3A_106 = vector.broadcast %broadcast_in_dim3A_105 : f32 to vector<16xf32>
      %swap3A_107 = arith.index_cast %add3A_81 : i32 to index
      %swap3A_108 = arith.constant 80 : index
      %swap3A_109 = tpu.vector_load %arg10[%swap3A_107, %swap3A_108] {strides = array<i32>} : memref<128x128xf32, #tpu.memory_space<vmem>>, vector<16xf32>,
      tpu.vector_store %arg10[%swap3A_107, %swap3A_108], %broadcast_in_dim3A_106 {strides = array<i32>} : memref<128x128xf32, #tpu.memory_space<vmem>>, vector<16xf32>,
      %broadcast_in_dim3A_110 = arith.constant 0.000000e+00 : f32
      %broadcast_in_dim3A_111 = vector.broadcast %broadcast_in_dim3A_110 : f32 to vector<16xf32>
      %swap3A_112 = arith.index_cast %add3A_81 : i32 to index
      %swap3A_113 = arith.constant 96 : index
      %swap3A_114 = tpu.vector_load %arg10[%swap3A_112, %swap3A_113] {strides = array<i32>} : memref<128x128xf32, #tpu.memory_space<vmem>>, vector<16xf32>,
      tpu.vector_store %arg10[%swap3A_112, %swap3A_113], %broadcast_in_dim3A_111 {strides = array<i32>} : memref<128x128xf32, #tpu.memory_space<vmem>>, vector<16xf32>,
      %broadcast_in_dim3A_115 = arith.constant 0.000000e+00 : f32
      %broadcast_in_dim3A_116 = vector.broadcast %broadcast_in_dim3A_115 : f32 to vector<16xf32>
      %swap3A_117 = arith.index_cast %add3A_81 : i32 to index
      %swap3A_118 = arith.constant 112 : index
      %swap3A_119 = tpu.vector_load %arg10[%swap3A_117, %swap3A_118] {strides = array<i32>} : memref<128x128xf32, #tpu.memory_space<vmem>>, vector<16xf32>,
      tpu.vector_store %arg10[%swap3A_117, %swap3A_118], %broadcast_in_dim3A_116 {strides = array<i32>} : memref<128x128xf32, #tpu.memory_space<vmem>>, vector<16xf32>,
    }
    %scan3A_9 = arith.constant 128 : i32
    %lt3A = arith.constant 15 : i32
    %lt3A_10 = arith.cmpi slt, %arg1, %lt3A : i32
    %convert_element_type3A = arith.extui %lt3A_10 : i1 to i32
    %cond3A = arith.constant 0 : i32
    %cond3A_11 = arith.cmpi ne, %convert_element_type3A, %cond3A : i32
    scf.if %cond3A_11 {
      %add3A_77 = arith.constant 0 : i32
      %add3A_78 = arith.addi %multiple_of3A, %add3A_77 : i32
      "tpu.region"() ({
        %run_scoped3A_87 = tpu.sem_alloc : memref<!tpu.dma_semaphore, #tpu.memory_space<semaphore_mem>>
        %dma_start3A_88 = arith.constant 0 : i32
        %dma_start3A_89 = tpu.memref_slice %arg11[%add3A_78, %dma_start3A_88] : memref<10008x128xf32, #tpu.memory_space<vmem_shared>> -> memref<128x128xf32, #tpu.memory_space<vmem_shared>>
        %dma_start3A_90 = arith.constant 0 : i32
        %dma_start3A_91 = tpu.memref_slice %arg11[%add3A_78, %dma_start3A_90] : memref<10008x128xf32, #tpu.memory_space<vmem_shared>> -> memref<128x128xf32, #tpu.memory_space<vmem_shared>>
        tpu.enqueue_dma source(%arg10 : memref<128x128xf32, #tpu.memory_space<vmem>>) target(%dma_start3A_91 : memref<128x128xf32, #tpu.memory_space<vmem_shared>>) target_semaphore(%run_scoped3A_87 : memref<!tpu.dma_semaphore, #tpu.memory_space<semaphore_mem>>)
        %dma_wait3A_92 = arith.constant 0 : i32
        %dma_wait3A_93 = tpu.memref_slice %arg11[%add3A_78, %dma_wait3A_92] : memref<10008x128xf32, #tpu.memory_space<vmem_shared>> -> memref<128x128xf32, #tpu.memory_space<vmem_shared>>
        %dma_wait3A_94 = arith.constant 0 : i32
        %dma_wait3A_95 = tpu.memref_slice %arg11[%add3A_78, %dma_wait3A_94] : memref<10008x128xf32, #tpu.memory_space<vmem_shared>> -> memref<128x128xf32, #tpu.memory_space<vmem_shared>>
        tpu.wait_dma2 semaphore(%run_scoped3A_87 : memref<!tpu.dma_semaphore, #tpu.memory_space<semaphore_mem>>) src(%arg10 : memref<128x128xf32, #tpu.memory_space<vmem>>) dst(%dma_wait3A_95 : memref<128x128xf32, #tpu.memory_space<vmem_shared>>)
        tpu.yield
      }) : () -> ()
      %add3A_79 = arith.constant 128 : i32
      %add3A_80 = arith.addi %multiple_of3A, %add3A_79 : i32
      "tpu.region"() ({
        %run_scoped3A_87 = tpu.sem_alloc : memref<!tpu.dma_semaphore, #tpu.memory_space<semaphore_mem>>
        %dma_start3A_88 = arith.constant 0 : i32
        %dma_start3A_89 = tpu.memref_slice %arg11[%add3A_80, %dma_start3A_88] : memref<10008x128xf32, #tpu.memory_space<vmem_shared>> -> memref<128x128xf32, #tpu.memory_space<vmem_shared>>
        %dma_start3A_90 = arith.constant 0 : i32
        %dma_start3A_91 = tpu.memref_slice %arg11[%add3A_80, %dma_start3A_90] : memref<10008x128xf32, #tpu.memory_space<vmem_shared>> -> memref<128x128xf32, #tpu.memory_space<vmem_shared>>
        tpu.enqueue_dma source(%arg10 : memref<128x128xf32, #tpu.memory_space<vmem>>) target(%dma_start3A_91 : memref<128x128xf32, #tpu.memory_space<vmem_shared>>) target_semaphore(%run_scoped3A_87 : memref<!tpu.dma_semaphore, #tpu.memory_space<semaphore_mem>>)
        %dma_wait3A_92 = arith.constant 0 : i32
        %dma_wait3A_93 = tpu.memref_slice %arg11[%add3A_80, %dma_wait3A_92] : memref<10008x128xf32, #tpu.memory_space<vmem_shared>> -> memref<128x128xf32, #tpu.memory_space<vmem_shared>>
        %dma_wait3A_94 = arith.constant 0 : i32
        %dma_wait3A_95 = tpu.memref_slice %arg11[%add3A_80, %dma_wait3A_94] : memref<10008x128xf32, #tpu.memory_space<vmem_shared>> -> memref<128x128xf32, #tpu.memory_space<vmem_shared>>
        tpu.wait_dma2 semaphore(%run_scoped3A_87 : memref<!tpu.dma_semaphore, #tpu.memory_space<semaphore_mem>>) src(%arg10 : memref<128x128xf32, #tpu.memory_space<vmem>>) dst(%dma_wait3A_95 : memref<128x128xf32, #tpu.memory_space<vmem_shared>>)
        tpu.yield
      }) : () -> ()
      %add3A_81 = arith.constant 256 : i32
      %add3A_82 = arith.addi %multiple_of3A, %add3A_81 : i32
      "tpu.region"() ({
        %run_scoped3A_87 = tpu.sem_alloc : memref<!tpu.dma_semaphore, #tpu.memory_space<semaphore_mem>>
        %dma_start3A_88 = arith.constant 0 : i32
        %dma_start3A_89 = tpu.memref_slice %arg11[%add3A_82, %dma_start3A_88] : memref<10008x128xf32, #tpu.memory_space<vmem_shared>> -> memref<128x128xf32, #tpu.memory_space<vmem_shared>>
        %dma_start3A_90 = arith.constant 0 : i32
        %dma_start3A_91 = tpu.memref_slice %arg11[%add3A_82, %dma_start3A_90] : memref<10008x128xf32, #tpu.memory_space<vmem_shared>> -> memref<128x128xf32, #tpu.memory_space<vmem_shared>>
        tpu.enqueue_dma source(%arg10 : memref<128x128xf32, #tpu.memory_space<vmem>>) target(%dma_start3A_91 : memref<128x128xf32, #tpu.memory_space<vmem_shared>>) target_semaphore(%run_scoped3A_87 : memref<!tpu.dma_semaphore, #tpu.memory_space<semaphore_mem>>)
        %dma_wait3A_92 = arith.constant 0 : i32
        %dma_wait3A_93 = tpu.memref_slice %arg11[%add3A_82, %dma_wait3A_92] : memref<10008x128xf32, #tpu.memory_space<vmem_shared>> -> memref<128x128xf32, #tpu.memory_space<vmem_shared>>
        %dma_wait3A_94 = arith.constant 0 : i32
        %dma_wait3A_95 = tpu.memref_slice %arg11[%add3A_82, %dma_wait3A_94] : memref<10008x128xf32, #tpu.memory_space<vmem_shared>> -> memref<128x128xf32, #tpu.memory_space<vmem_shared>>
        tpu.wait_dma2 semaphore(%run_scoped3A_87 : memref<!tpu.dma_semaphore, #tpu.memory_space<semaphore_mem>>) src(%arg10 : memref<128x128xf32, #tpu.memory_space<vmem>>) dst(%dma_wait3A_95 : memref<128x128xf32, #tpu.memory_space<vmem_shared>>)
        tpu.yield
      }) : () -> ()
      %add3A_83 = arith.constant 384 : i32
      %add3A_84 = arith.addi %multiple_of3A, %add3A_83 : i32
      "tpu.region"() ({
        %run_scoped3A_87 = tpu.sem_alloc : memref<!tpu.dma_semaphore, #tpu.memory_space<semaphore_mem>>
        %dma_start3A_88 = arith.constant 0 : i32
        %dma_start3A_89 = tpu.memref_slice %arg11[%add3A_84, %dma_start3A_88] : memref<10008x128xf32, #tpu.memory_space<vmem_shared>> -> memref<128x128xf32, #tpu.memory_space<vmem_shared>>
        %dma_start3A_90 = arith.constant 0 : i32
        %dma_start3A_91 = tpu.memref_slice %arg11[%add3A_84, %dma_start3A_90] : memref<10008x128xf32, #tpu.memory_space<vmem_shared>> -> memref<128x128xf32, #tpu.memory_space<vmem_shared>>
        tpu.enqueue_dma source(%arg10 : memref<128x128xf32, #tpu.memory_space<vmem>>) target(%dma_start3A_91 : memref<128x128xf32, #tpu.memory_space<vmem_shared>>) target_semaphore(%run_scoped3A_87 : memref<!tpu.dma_semaphore, #tpu.memory_space<semaphore_mem>>)
        %dma_wait3A_92 = arith.constant 0 : i32
        %dma_wait3A_93 = tpu.memref_slice %arg11[%add3A_84, %dma_wait3A_92] : memref<10008x128xf32, #tpu.memory_space<vmem_shared>> -> memref<128x128xf32, #tpu.memory_space<vmem_shared>>
        %dma_wait3A_94 = arith.constant 0 : i32
        %dma_wait3A_95 = tpu.memref_slice %arg11[%add3A_84, %dma_wait3A_94] : memref<10008x128xf32, #tpu.memory_space<vmem_shared>> -> memref<128x128xf32, #tpu.memory_space<vmem_shared>>
        tpu.wait_dma2 semaphore(%run_scoped3A_87 : memref<!tpu.dma_semaphore, #tpu.memory_space<semaphore_mem>>) src(%arg10 : memref<128x128xf32, #tpu.memory_space<vmem>>) dst(%dma_wait3A_95 : memref<128x128xf32, #tpu.memory_space<vmem_shared>>)
        tpu.yield
      }) : () -> ()
      %add3A_85 = arith.constant 512 : i32
      %add3A_86 = arith.addi %multiple_of3A, %add3A_85 : i32
      "tpu.region"() ({
        %run_scoped3A_87 = tpu.sem_alloc : memref<!tpu.dma_semaphore, #tpu.memory_space<semaphore_mem>>
        %dma_start3A_88 = arith.constant 0 : i32
        %dma_start3A_89 = tpu.memref_slice %arg11[%add3A_86, %dma_start3A_88] : memref<10008x128xf32, #tpu.memory_space<vmem_shared>> -> memref<128x128xf32, #tpu.memory_space<vmem_shared>>
        %dma_start3A_90 = arith.constant 0 : i32
        %dma_start3A_91 = tpu.memref_slice %arg11[%add3A_86, %dma_start3A_90] : memref<10008x128xf32, #tpu.memory_space<vmem_shared>> -> memref<128x128xf32, #tpu.memory_space<vmem_shared>>
        tpu.enqueue_dma source(%arg10 : memref<128x128xf32, #tpu.memory_space<vmem>>) target(%dma_start3A_91 : memref<128x128xf32, #tpu.memory_space<vmem_shared>>) target_semaphore(%run_scoped3A_87 : memref<!tpu.dma_semaphore, #tpu.memory_space<semaphore_mem>>)
        %dma_wait3A_92 = arith.constant 0 : i32
        %dma_wait3A_93 = tpu.memref_slice %arg11[%add3A_86, %dma_wait3A_92] : memref<10008x128xf32, #tpu.memory_space<vmem_shared>> -> memref<128x128xf32, #tpu.memory_space<vmem_shared>>
        %dma_wait3A_94 = arith.constant 0 : i32
        %dma_wait3A_95 = tpu.memref_slice %arg11[%add3A_86, %dma_wait3A_94] : memref<10008x128xf32, #tpu.memory_space<vmem_shared>> -> memref<128x128xf32, #tpu.memory_space<vmem_shared>>
        tpu.wait_dma2 semaphore(%run_scoped3A_87 : memref<!tpu.dma_semaphore, #tpu.memory_space<semaphore_mem>>) src(%arg10 : memref<128x128xf32, #tpu.memory_space<vmem>>) dst(%dma_wait3A_95 : memref<128x128xf32, #tpu.memory_space<vmem_shared>>)
        tpu.yield
      }) : () -> ()
    } else {
    }
    %eq3A = arith.constant 15 : i32
    %eq3A_12 = arith.cmpi eq, %arg1, %eq3A : i32
    %convert_element_type3A_13 = arith.extui %eq3A_12 : i1 to i32
    %cond3A_14 = arith.constant 0 : i32
    %cond3A_15 = arith.cmpi ne, %convert_element_type3A_13, %cond3A_14 : i32
    scf.if %cond3A_15 {
      "tpu.region"() ({
        %run_scoped3A_77 = tpu.sem_alloc : memref<!tpu.dma_semaphore, #tpu.memory_space<semaphore_mem>>
        %dma_start3A_78 = arith.constant 9600 : i32
        %dma_start3A_79 = arith.constant 0 : i32
        %dma_start3A_80 = tpu.memref_slice %arg11[%dma_start3A_78, %dma_start3A_79] : memref<10008x128xf32, #tpu.memory_space<vmem_shared>> -> memref<128x128xf32, #tpu.memory_space<vmem_shared>>
        %dma_start3A_81 = arith.constant 9600 : i32
        %dma_start3A_82 = arith.constant 0 : i32
        %dma_start3A_83 = tpu.memref_slice %arg11[%dma_start3A_81, %dma_start3A_82] : memref<10008x128xf32, #tpu.memory_space<vmem_shared>> -> memref<128x128xf32, #tpu.memory_space<vmem_shared>>
        tpu.enqueue_dma source(%arg10 : memref<128x128xf32, #tpu.memory_space<vmem>>) target(%dma_start3A_83 : memref<128x128xf32, #tpu.memory_space<vmem_shared>>) target_semaphore(%run_scoped3A_77 : memref<!tpu.dma_semaphore, #tpu.memory_space<semaphore_mem>>)
        %dma_wait3A_84 = arith.constant 9600 : i32
        %dma_wait3A_85 = arith.constant 0 : i32
        %dma_wait3A_86 = tpu.memref_slice %arg11[%dma_wait3A_84, %dma_wait3A_85] : memref<10008x128xf32, #tpu.memory_space<vmem_shared>> -> memref<128x128xf32, #tpu.memory_space<vmem_shared>>
        %dma_wait3A_87 = arith.constant 9600 : i32
        %dma_wait3A_88 = arith.constant 0 : i32
        %dma_wait3A_89 = tpu.memref_slice %arg11[%dma_wait3A_87, %dma_wait3A_88] : memref<10008x128xf32, #tpu.memory_space<vmem_shared>> -> memref<128x128xf32, #tpu.memory_space<vmem_shared>>
        tpu.wait_dma2 semaphore(%run_scoped3A_77 : memref<!tpu.dma_semaphore, #tpu.memory_space<semaphore_mem>>) src(%arg10 : memref<128x128xf32, #tpu.memory_space<vmem>>) dst(%dma_wait3A_89 : memref<128x128xf32, #tpu.memory_space<vmem_shared>>)
        tpu.yield
      }) : () -> ()
      "tpu.region"() ({
        %run_scoped3A_77 = tpu.sem_alloc : memref<!tpu.dma_semaphore, #tpu.memory_space<semaphore_mem>>
        %dma_start3A_78 = arith.constant 9728 : i32
        %dma_start3A_79 = arith.constant 0 : i32
        %dma_start3A_80 = tpu.memref_slice %arg11[%dma_start3A_78, %dma_start3A_79] : memref<10008x128xf32, #tpu.memory_space<vmem_shared>> -> memref<128x128xf32, #tpu.memory_space<vmem_shared>>
        %dma_start3A_81 = arith.constant 9728 : i32
        %dma_start3A_82 = arith.constant 0 : i32
        %dma_start3A_83 = tpu.memref_slice %arg11[%dma_start3A_81, %dma_start3A_82] : memref<10008x128xf32, #tpu.memory_space<vmem_shared>> -> memref<128x128xf32, #tpu.memory_space<vmem_shared>>
        tpu.enqueue_dma source(%arg10 : memref<128x128xf32, #tpu.memory_space<vmem>>) target(%dma_start3A_83 : memref<128x128xf32, #tpu.memory_space<vmem_shared>>) target_semaphore(%run_scoped3A_77 : memref<!tpu.dma_semaphore, #tpu.memory_space<semaphore_mem>>)
        %dma_wait3A_84 = arith.constant 9728 : i32
        %dma_wait3A_85 = arith.constant 0 : i32
        %dma_wait3A_86 = tpu.memref_slice %arg11[%dma_wait3A_84, %dma_wait3A_85] : memref<10008x128xf32, #tpu.memory_space<vmem_shared>> -> memref<128x128xf32, #tpu.memory_space<vmem_shared>>
        %dma_wait3A_87 = arith.constant 9728 : i32
        %dma_wait3A_88 = arith.constant 0 : i32
        %dma_wait3A_89 = tpu.memref_slice %arg11[%dma_wait3A_87, %dma_wait3A_88] : memref<10008x128xf32, #tpu.memory_space<vmem_shared>> -> memref<128x128xf32, #tpu.memory_space<vmem_shared>>
        tpu.wait_dma2 semaphore(%run_scoped3A_77 : memref<!tpu.dma_semaphore, #tpu.memory_space<semaphore_mem>>) src(%arg10 : memref<128x128xf32, #tpu.memory_space<vmem>>) dst(%dma_wait3A_89 : memref<128x128xf32, #tpu.memory_space<vmem_shared>>)
        tpu.yield
      }) : () -> ()
      "tpu.region"() ({
        %run_scoped3A_77 = tpu.sem_alloc : memref<!tpu.dma_semaphore, #tpu.memory_space<semaphore_mem>>
        %dma_start3A_78 = arith.constant 9856 : i32
        %dma_start3A_79 = arith.constant 0 : i32
        %dma_start3A_80 = tpu.memref_slice %arg11[%dma_start3A_78, %dma_start3A_79] : memref<10008x128xf32, #tpu.memory_space<vmem_shared>> -> memref<128x128xf32, #tpu.memory_space<vmem_shared>>
        %dma_start3A_81 = arith.constant 9856 : i32
        %dma_start3A_82 = arith.constant 0 : i32
        %dma_start3A_83 = tpu.memref_slice %arg11[%dma_start3A_81, %dma_start3A_82] : memref<10008x128xf32, #tpu.memory_space<vmem_shared>> -> memref<128x128xf32, #tpu.memory_space<vmem_shared>>
        tpu.enqueue_dma source(%arg10 : memref<128x128xf32, #tpu.memory_space<vmem>>) target(%dma_start3A_83 : memref<128x128xf32, #tpu.memory_space<vmem_shared>>) target_semaphore(%run_scoped3A_77 : memref<!tpu.dma_semaphore, #tpu.memory_space<semaphore_mem>>)
        %dma_wait3A_84 = arith.constant 9856 : i32
        %dma_wait3A_85 = arith.constant 0 : i32
        %dma_wait3A_86 = tpu.memref_slice %arg11[%dma_wait3A_84, %dma_wait3A_85] : memref<10008x128xf32, #tpu.memory_space<vmem_shared>> -> memref<128x128xf32, #tpu.memory_space<vmem_shared>>
        %dma_wait3A_87 = arith.constant 9856 : i32
        %dma_wait3A_88 = arith.constant 0 : i32
        %dma_wait3A_89 = tpu.memref_slice %arg11[%dma_wait3A_87, %dma_wait3A_88] : memref<10008x128xf32, #tpu.memory_space<vmem_shared>> -> memref<128x128xf32, #tpu.memory_space<vmem_shared>>
        tpu.wait_dma2 semaphore(%run_scoped3A_77 : memref<!tpu.dma_semaphore, #tpu.memory_space<semaphore_mem>>) src(%arg10 : memref<128x128xf32, #tpu.memory_space<vmem>>) dst(%dma_wait3A_89 : memref<128x128xf32, #tpu.memory_space<vmem_shared>>)
        tpu.yield
      }) : () -> ()
      "tpu.region"() ({
        %run_scoped3A_77 = tpu.sem_alloc : memref<!tpu.dma_semaphore, #tpu.memory_space<semaphore_mem>>
        %dma_start3A_78 = arith.constant 0 : i32
        %dma_start3A_79 = arith.constant 0 : i32
        %dma_start3A_80 = tpu.memref_slice %arg10[%dma_start3A_78, %dma_start3A_79] : memref<128x128xf32, #tpu.memory_space<vmem>> -> memref<16x128xf32, #tpu.memory_space<vmem>>
        %dma_start3A_81 = arith.constant 9984 : i32
        %dma_start3A_82 = arith.constant 0 : i32
        %dma_start3A_83 = tpu.memref_slice %arg11[%dma_start3A_81, %dma_start3A_82] : memref<10008x128xf32, #tpu.memory_space<vmem_shared>> -> memref<16x128xf32, #tpu.memory_space<vmem_shared>>
        %dma_start3A_84 = arith.constant 9984 : i32
        %dma_start3A_85 = arith.constant 0 : i32
        %dma_start3A_86 = tpu.memref_slice %arg11[%dma_start3A_84, %dma_start3A_85] : memref<10008x128xf32, #tpu.memory_space<vmem_shared>> -> memref<16x128xf32, #tpu.memory_space<vmem_shared>>
        %dma_start3A_87 = arith.constant 0 : i32
        %dma_start3A_88 = arith.constant 0 : i32
        %dma_start3A_89 = tpu.memref_slice %arg10[%dma_start3A_87, %dma_start3A_88] : memref<128x128xf32, #tpu.memory_space<vmem>> -> memref<16x128xf32, #tpu.memory_space<vmem>>
        tpu.enqueue_dma source(%dma_start3A_89 : memref<16x128xf32, #tpu.memory_space<vmem>>) target(%dma_start3A_86 : memref<16x128xf32, #tpu.memory_space<vmem_shared>>) target_semaphore(%run_scoped3A_77 : memref<!tpu.dma_semaphore, #tpu.memory_space<semaphore_mem>>)
        %dma_wait3A_90 = arith.constant 0 : i32
        %dma_wait3A_91 = arith.constant 0 : i32
        %dma_wait3A_92 = tpu.memref_slice %arg10[%dma_wait3A_90, %dma_wait3A_91] : memref<128x128xf32, #tpu.memory_space<vmem>> -> memref<16x128xf32, #tpu.memory_space<vmem>>
        %dma_wait3A_93 = arith.constant 9984 : i32
        %dma_wait3A_94 = arith.constant 0 : i32
        %dma_wait3A_95 = tpu.memref_slice %arg11[%dma_wait3A_93, %dma_wait3A_94] : memref<10008x128xf32, #tpu.memory_space<vmem_shared>> -> memref<16x128xf32, #tpu.memory_space<vmem_shared>>
        %dma_wait3A_96 = arith.constant 9984 : i32
        %dma_wait3A_97 = arith.constant 0 : i32
        %dma_wait3A_98 = tpu.memref_slice %arg11[%dma_wait3A_96, %dma_wait3A_97] : memref<10008x128xf32, #tpu.memory_space<vmem_shared>> -> memref<16x128xf32, #tpu.memory_space<vmem_shared>>
        %dma_wait3A_99 = arith.constant 0 : i32
        %dma_wait3A_100 = arith.constant 0 : i32
        %dma_wait3A_101 = tpu.memref_slice %arg10[%dma_wait3A_99, %dma_wait3A_100] : memref<128x128xf32, #tpu.memory_space<vmem>> -> memref<16x128xf32, #tpu.memory_space<vmem>>
        tpu.wait_dma2 semaphore(%run_scoped3A_77 : memref<!tpu.dma_semaphore, #tpu.memory_space<semaphore_mem>>) src(%dma_wait3A_101 : memref<16x128xf32, #tpu.memory_space<vmem>>) dst(%dma_wait3A_98 : memref<16x128xf32, #tpu.memory_space<vmem_shared>>)
        tpu.yield
      }) : () -> ()
    } else {
    }
    %barrier3A = arith.constant 0 : index
    tpu.barrier barrier_id(%barrier3A)
    %mul3A_16 = arith.constant 16 : i32
    %mul3A_17 = arith.muli %arg0, %mul3A_16 : i32
    %add3A_18 = arith.addi %mul3A_17, %arg1 : i32
    "tpu.region"() ({
      %run_scoped3A_77 = tpu.sem_alloc : memref<!tpu.dma_semaphore, #tpu.memory_space<semaphore_mem>>
      %dma_start3A_78 = arith.constant 0 : i32
      %dma_start3A_79 = arith.constant 0 : i32
      %dma_start3A_80 = tpu.memref_slice %arg3[%add3A_18, %dma_start3A_78, %dma_start3A_79] : memref<32x80x128xi32, #tpu.memory_space<hbm>> -> memref<1x40x128xi32, #tpu.memory_space<hbm>>
      %dma_start3A_81 = tpu.memref_squeeze %dma_start3A_80 : memref<1x40x128xi32, #tpu.memory_space<hbm>> -> memref<40x128xi32, #tpu.memory_space<hbm>>
      %dma_start3A_82 = arith.constant 0 : i32
      %dma_start3A_83 = arith.constant 0 : i32
      %dma_start3A_84 = tpu.memref_slice %arg3[%add3A_18, %dma_start3A_82, %dma_start3A_83] : memref<32x80x128xi32, #tpu.memory_space<hbm>> -> memref<1x40x128xi32, #tpu.memory_space<hbm>>
      %dma_start3A_85 = tpu.memref_squeeze %dma_start3A_84 : memref<1x40x128xi32, #tpu.memory_space<hbm>> -> memref<40x128xi32, #tpu.memory_space<hbm>>
      tpu.enqueue_dma source(%dma_start3A_85 : memref<40x128xi32, #tpu.memory_space<hbm>>) target(%arg6 : memref<40x128xi32, #tpu.memory_space<vmem>>) target_semaphore(%run_scoped3A_77 : memref<!tpu.dma_semaphore, #tpu.memory_space<semaphore_mem>>)
      %dma_wait3A_86 = arith.constant 0 : i32
      %dma_wait3A_87 = arith.constant 0 : i32
      %dma_wait3A_88 = tpu.memref_slice %arg3[%add3A_18, %dma_wait3A_86, %dma_wait3A_87] : memref<32x80x128xi32, #tpu.memory_space<hbm>> -> memref<1x40x128xi32, #tpu.memory_space<hbm>>
      %dma_wait3A_89 = tpu.memref_squeeze %dma_wait3A_88 : memref<1x40x128xi32, #tpu.memory_space<hbm>> -> memref<40x128xi32, #tpu.memory_space<hbm>>
      %dma_wait3A_90 = arith.constant 0 : i32
      %dma_wait3A_91 = arith.constant 0 : i32
      %dma_wait3A_92 = tpu.memref_slice %arg3[%add3A_18, %dma_wait3A_90, %dma_wait3A_91] : memref<32x80x128xi32, #tpu.memory_space<hbm>> -> memref<1x40x128xi32, #tpu.memory_space<hbm>>
      %dma_wait3A_93 = tpu.memref_squeeze %dma_wait3A_92 : memref<1x40x128xi32, #tpu.memory_space<hbm>> -> memref<40x128xi32, #tpu.memory_space<hbm>>
      tpu.wait_dma2 semaphore(%run_scoped3A_77 : memref<!tpu.dma_semaphore, #tpu.memory_space<semaphore_mem>>) src(%dma_wait3A_93 : memref<40x128xi32, #tpu.memory_space<hbm>>) dst(%arg6 : memref<40x128xi32, #tpu.memory_space<vmem>>)
      tpu.yield
    }) : () -> ()
    "tpu.region"() ({
      %run_scoped3A_77 = tpu.sem_alloc : memref<!tpu.dma_semaphore, #tpu.memory_space<semaphore_mem>>
      %dma_start3A_78 = arith.constant 0 : i32
      %dma_start3A_79 = arith.constant 0 : i32
      %dma_start3A_80 = tpu.memref_slice %arg4[%arg1, %dma_start3A_78, %dma_start3A_79] : memref<16x80x128xi32, #tpu.memory_space<hbm>> -> memref<1x40x128xi32, #tpu.memory_space<hbm>>
      %dma_start3A_81 = tpu.memref_squeeze %dma_start3A_80 : memref<1x40x128xi32, #tpu.memory_space<hbm>> -> memref<40x128xi32, #tpu.memory_space<hbm>>
      %dma_start3A_82 = arith.constant 0 : i32
      %dma_start3A_83 = arith.constant 0 : i32
      %dma_start3A_84 = tpu.memref_slice %arg4[%arg1, %dma_start3A_82, %dma_start3A_83] : memref<16x80x128xi32, #tpu.memory_space<hbm>> -> memref<1x40x128xi32, #tpu.memory_space<hbm>>
      %dma_start3A_85 = tpu.memref_squeeze %dma_start3A_84 : memref<1x40x128xi32, #tpu.memory_space<hbm>> -> memref<40x128xi32, #tpu.memory_space<hbm>>
      tpu.enqueue_dma source(%dma_start3A_85 : memref<40x128xi32, #tpu.memory_space<hbm>>) target(%arg7 : memref<40x128xi32, #tpu.memory_space<vmem>>) target_semaphore(%run_scoped3A_77 : memref<!tpu.dma_semaphore, #tpu.memory_space<semaphore_mem>>)
      %dma_wait3A_86 = arith.constant 0 : i32
      %dma_wait3A_87 = arith.constant 0 : i32
      %dma_wait3A_88 = tpu.memref_slice %arg4[%arg1, %dma_wait3A_86, %dma_wait3A_87] : memref<16x80x128xi32, #tpu.memory_space<hbm>> -> memref<1x40x128xi32, #tpu.memory_space<hbm>>
      %dma_wait3A_89 = tpu.memref_squeeze %dma_wait3A_88 : memref<1x40x128xi32, #tpu.memory_space<hbm>> -> memref<40x128xi32, #tpu.memory_space<hbm>>
      %dma_wait3A_90 = arith.constant 0 : i32
      %dma_wait3A_91 = arith.constant 0 : i32
      %dma_wait3A_92 = tpu.memref_slice %arg4[%arg1, %dma_wait3A_90, %dma_wait3A_91] : memref<16x80x128xi32, #tpu.memory_space<hbm>> -> memref<1x40x128xi32, #tpu.memory_space<hbm>>
      %dma_wait3A_93 = tpu.memref_squeeze %dma_wait3A_92 : memref<1x40x128xi32, #tpu.memory_space<hbm>> -> memref<40x128xi32, #tpu.memory_space<hbm>>
      tpu.wait_dma2 semaphore(%run_scoped3A_77 : memref<!tpu.dma_semaphore, #tpu.memory_space<semaphore_mem>>) src(%dma_wait3A_93 : memref<40x128xi32, #tpu.memory_space<hbm>>) dst(%arg7 : memref<40x128xi32, #tpu.memory_space<vmem>>)
      tpu.yield
    }) : () -> ()
    %dma_start3A = arith.constant 0 : i32
    %dma_start3A_19 = arith.constant 0 : i32
    %dma_start3A_20 = tpu.memref_slice %arg6[%dma_start3A, %dma_start3A_19] : memref<40x128xi32, #tpu.memory_space<vmem>> -> memref<1x128xi32, #tpu.memory_space<vmem>>
    %dma_start3A_21 = tpu.memref_squeeze %dma_start3A_20 : memref<1x128xi32, #tpu.memory_space<vmem>> -> memref<128xi32, #tpu.memory_space<vmem>>
    %dma_start3A_22 = arith.constant 0 : i32
    %dma_start3A_23 = arith.constant 0 : i32
    %dma_start3A_24 = tpu.memref_slice %arg2[%dma_start3A_22, %dma_start3A_23] : memref<20000x64xi32, #tpu.memory_space<hbm>> -> memref<20000x64xi32, #tpu.memory_space<hbm>>
    tpu.enqueue_indirect_dma source(%dma_start3A_24 : memref<20000x64xi32, #tpu.memory_space<hbm>>) target(%arg8 : memref<128x64xi32, #tpu.memory_space<vmem>>) offsets(%dma_start3A_21 : memref<128xi32, #tpu.memory_space<vmem>>) semaphore(%arg12 : memref<!tpu.dma_semaphore, #tpu.memory_space<semaphore_mem>>)
    %dma_wait3A = arith.constant 0 : i32
    %dma_wait3A_25 = arith.constant 0 : i32
    %dma_wait3A_26 = tpu.memref_slice %arg6[%dma_wait3A, %dma_wait3A_25] : memref<40x128xi32, #tpu.memory_space<vmem>> -> memref<1x128xi32, #tpu.memory_space<vmem>>
    %dma_wait3A_27 = tpu.memref_squeeze %dma_wait3A_26 : memref<1x128xi32, #tpu.memory_space<vmem>> -> memref<128xi32, #tpu.memory_space<vmem>>
    %dma_wait3A_28 = arith.constant 0 : i32
    %dma_wait3A_29 = arith.constant 0 : i32
    %dma_wait3A_30 = tpu.memref_slice %arg2[%dma_wait3A_28, %dma_wait3A_29] : memref<20000x64xi32, #tpu.memory_space<hbm>> -> memref<20000x64xi32, #tpu.memory_space<hbm>>
    tpu.wait_indirect_dma semaphore(%arg12 : memref<!tpu.dma_semaphore, #tpu.memory_space<semaphore_mem>>) src(%dma_wait3A_30 : memref<20000x64xi32, #tpu.memory_space<hbm>>) dst(%arg8 : memref<128x64xi32, #tpu.memory_space<vmem>>)
    %scan3A_31 = arith.constant 0 : i32
    %scan3A_32 = arith.constant 39 : i32
    %scan3A_33 = arith.addi %scan3A_31, %scan3A_32 : i32
    %scan3A_34 = arith.constant 1 : i32
    scf.for %scan3A_77 = %scan3A_31 to %scan3A_33 step %scan3A_34  : i32 {
      %mul3A_78 = arith.constant 1 : i32
      %mul3A_79 = arith.muli %scan3A_77, %mul3A_78 : i32
      %add3A_80 = arith.constant 0 : i32
      %add3A_81 = arith.addi %add3A_80, %mul3A_79 : i32
      %jit3A = arith.constant 2 : i32
      %eq3A_82 = arith.constant 0 : i32
      %eq3A_83 = arith.cmpi eq, %jit3A, %eq3A_82 : i32
      %jit3A_84 = arith.constant 1 : i32
      %select_n3A = arith.select %eq3A_83, %jit3A_84, %jit3A : i32
      %rem3A = arith.remsi %add3A_81, %select_n3A : i32
      %ne3A = arith.constant 0 : i32
      %ne3A_85 = arith.cmpi ne, %rem3A, %ne3A : i32
      %lt3A_86 = arith.constant 0 : i32
      %lt3A_87 = arith.cmpi slt, %rem3A, %lt3A_86 : i32
      %lt3A_88 = arith.constant 0 : i32
      %lt3A_89 = arith.cmpi slt, %select_n3A, %lt3A_88 : i32
      %ne3A_90 = arith.xori %lt3A_87, %lt3A_89 : i1
      %and3A = arith.andi %ne3A_90, %ne3A_85 : i1
      %add3A_91 = arith.addi %rem3A, %select_n3A : i32
      %select_n3A_92 = arith.select %and3A, %add3A_91, %rem3A : i32
      %eq3A_93 = arith.constant 0 : i32
      %eq3A_94 = arith.cmpi eq, %select_n3A_92, %eq3A_93 : i32
      %convert_element_type3A_95 = arith.extui %eq3A_94 : i1 to i32
      %cond3A_96 = arith.constant 0 : i32
      %cond3A_97 = arith.cmpi ne, %convert_element_type3A_95, %cond3A_96 : i32
      scf.if %cond3A_97 {
        %add3A_102 = arith.constant 1 : i32
        %add3A_103 = arith.addi %add3A_81, %add3A_102 : i32
        %dma_start3A_104 = arith.constant 0 : i32
        %dma_start3A_105 = tpu.memref_slice %arg6[%add3A_103, %dma_start3A_104] : memref<40x128xi32, #tpu.memory_space<vmem>> -> memref<1x128xi32, #tpu.memory_space<vmem>>
        %dma_start3A_106 = tpu.memref_squeeze %dma_start3A_105 : memref<1x128xi32, #tpu.memory_space<vmem>> -> memref<128xi32, #tpu.memory_space<vmem>>
        %dma_start3A_107 = arith.constant 0 : i32
        %dma_start3A_108 = arith.constant 0 : i32
        %dma_start3A_109 = tpu.memref_slice %arg2[%dma_start3A_107, %dma_start3A_108] : memref<20000x64xi32, #tpu.memory_space<hbm>> -> memref<20000x64xi32, #tpu.memory_space<hbm>>
        tpu.enqueue_indirect_dma source(%dma_start3A_109 : memref<20000x64xi32, #tpu.memory_space<hbm>>) target(%arg9 : memref<128x64xi32, #tpu.memory_space<vmem>>) offsets(%dma_start3A_106 : memref<128xi32, #tpu.memory_space<vmem>>) semaphore(%arg13 : memref<!tpu.dma_semaphore, #tpu.memory_space<semaphore_mem>>)
        %scan3A_110 = arith.constant 0 : i32
        %scan3A_111 = arith.constant 128 : i32
        %scan3A_112 = arith.addi %scan3A_110, %scan3A_111 : i32
        %scan3A_113 = arith.constant 1 : i32
        scf.for %scan3A_123 = %scan3A_110 to %scan3A_112 step %scan3A_113  : i32 {
          %mul3A_124 = arith.constant 1 : i32
          %mul3A_125 = arith.muli %scan3A_123, %mul3A_124 : i32
          %add3A_126 = arith.constant 0 : i32
          %add3A_127 = arith.addi %add3A_126, %mul3A_125 : i32
          %get3A = arith.index_cast %add3A_127 : i32 to index
          %get3A_128 = arith.constant 0 : index
          %get3A_129 = tpu.vector_load %arg8[%get3A, %get3A_128] {strides = array<i32>} : memref<128x64xi32, #tpu.memory_space<vmem>>, vector<16xi32>,
          %bitcast3A = vector.bitcast %get3A_129 : vector<16xi32> to vector<32xbf16>
          %unpack3A = tpu.unpack_subelements %bitcast3A, 0 {pack_format = #tpu.pack_format<interleaved>} : vector<32xbf16> -> vector<16xf32>
          %unpack3A_130 = tpu.unpack_subelements %bitcast3A, 1 {pack_format = #tpu.pack_format<interleaved>} : vector<32xbf16> -> vector<16xf32>
          %swap3A = arith.index_cast %add3A_127 : i32 to index
          %swap3A_131 = arith.constant 0 : index
          %swap3A_132 = tpu.vector_load %arg10[%swap3A, %swap3A_131] {strides = array<i32>} : memref<128x128xf32, #tpu.memory_space<vmem>>, vector<16xf32>,
          tpu.vector_store %arg10[%swap3A, %swap3A_131], %unpack3A {strides = array<i32>} : memref<128x128xf32, #tpu.memory_space<vmem>>, vector<16xf32>,
          %swap3A_133 = arith.index_cast %add3A_127 : i32 to index
          %swap3A_134 = arith.constant 64 : index
          %swap3A_135 = tpu.vector_load %arg10[%swap3A_133, %swap3A_134] {strides = array<i32>} : memref<128x128xf32, #tpu.memory_space<vmem>>, vector<16xf32>,
          tpu.vector_store %arg10[%swap3A_133, %swap3A_134], %unpack3A_130 {strides = array<i32>} : memref<128x128xf32, #tpu.memory_space<vmem>>, vector<16xf32>,
          %get3A_136 = arith.index_cast %add3A_127 : i32 to index
          %get3A_137 = arith.constant 16 : index
          %get3A_138 = tpu.vector_load %arg8[%get3A_136, %get3A_137] {strides = array<i32>} : memref<128x64xi32, #tpu.memory_space<vmem>>, vector<16xi32>,
          %bitcast3A_139 = vector.bitcast %get3A_138 : vector<16xi32> to vector<32xbf16>
          %unpack3A_140 = tpu.unpack_subelements %bitcast3A_139, 0 {pack_format = #tpu.pack_format<interleaved>} : vector<32xbf16> -> vector<16xf32>
          %unpack3A_141 = tpu.unpack_subelements %bitcast3A_139, 1 {pack_format = #tpu.pack_format<interleaved>} : vector<32xbf16> -> vector<16xf32>
          %swap3A_142 = arith.index_cast %add3A_127 : i32 to index
          %swap3A_143 = arith.constant 16 : index
          %swap3A_144 = tpu.vector_load %arg10[%swap3A_142, %swap3A_143] {strides = array<i32>} : memref<128x128xf32, #tpu.memory_space<vmem>>, vector<16xf32>,
          tpu.vector_store %arg10[%swap3A_142, %swap3A_143], %unpack3A_140 {strides = array<i32>} : memref<128x128xf32, #tpu.memory_space<vmem>>, vector<16xf32>,
          %swap3A_145 = arith.index_cast %add3A_127 : i32 to index
          %swap3A_146 = arith.constant 80 : index
          %swap3A_147 = tpu.vector_load %arg10[%swap3A_145, %swap3A_146] {strides = array<i32>} : memref<128x128xf32, #tpu.memory_space<vmem>>, vector<16xf32>,
          tpu.vector_store %arg10[%swap3A_145, %swap3A_146], %unpack3A_141 {strides = array<i32>} : memref<128x128xf32, #tpu.memory_space<vmem>>, vector<16xf32>,
          %get3A_148 = arith.index_cast %add3A_127 : i32 to index
          %get3A_149 = arith.constant 32 : index
          %get3A_150 = tpu.vector_load %arg8[%get3A_148, %get3A_149] {strides = array<i32>} : memref<128x64xi32, #tpu.memory_space<vmem>>, vector<16xi32>,
          %bitcast3A_151 = vector.bitcast %get3A_150 : vector<16xi32> to vector<32xbf16>
          %unpack3A_152 = tpu.unpack_subelements %bitcast3A_151, 0 {pack_format = #tpu.pack_format<interleaved>} : vector<32xbf16> -> vector<16xf32>
          %unpack3A_153 = tpu.unpack_subelements %bitcast3A_151, 1 {pack_format = #tpu.pack_format<interleaved>} : vector<32xbf16> -> vector<16xf32>
          %swap3A_154 = arith.index_cast %add3A_127 : i32 to index
          %swap3A_155 = arith.constant 32 : index
          %swap3A_156 = tpu.vector_load %arg10[%swap3A_154, %swap3A_155] {strides = array<i32>} : memref<128x128xf32, #tpu.memory_space<vmem>>, vector<16xf32>,
          tpu.vector_store %arg10[%swap3A_154, %swap3A_155], %unpack3A_152 {strides = array<i32>} : memref<128x128xf32, #tpu.memory_space<vmem>>, vector<16xf32>,
          %swap3A_157 = arith.index_cast %add3A_127 : i32 to index
          %swap3A_158 = arith.constant 96 : index
          %swap3A_159 = tpu.vector_load %arg10[%swap3A_157, %swap3A_158] {strides = array<i32>} : memref<128x128xf32, #tpu.memory_space<vmem>>, vector<16xf32>,
          tpu.vector_store %arg10[%swap3A_157, %swap3A_158], %unpack3A_153 {strides = array<i32>} : memref<128x128xf32, #tpu.memory_space<vmem>>, vector<16xf32>,
          %get3A_160 = arith.index_cast %add3A_127 : i32 to index
          %get3A_161 = arith.constant 48 : index
          %get3A_162 = tpu.vector_load %arg8[%get3A_160, %get3A_161] {strides = array<i32>} : memref<128x64xi32, #tpu.memory_space<vmem>>, vector<16xi32>,
          %bitcast3A_163 = vector.bitcast %get3A_162 : vector<16xi32> to vector<32xbf16>
          %unpack3A_164 = tpu.unpack_subelements %bitcast3A_163, 0 {pack_format = #tpu.pack_format<interleaved>} : vector<32xbf16> -> vector<16xf32>
          %unpack3A_165 = tpu.unpack_subelements %bitcast3A_163, 1 {pack_format = #tpu.pack_format<interleaved>} : vector<32xbf16> -> vector<16xf32>
          %swap3A_166 = arith.index_cast %add3A_127 : i32 to index
          %swap3A_167 = arith.constant 48 : index
          %swap3A_168 = tpu.vector_load %arg10[%swap3A_166, %swap3A_167] {strides = array<i32>} : memref<128x128xf32, #tpu.memory_space<vmem>>, vector<16xf32>,
          tpu.vector_store %arg10[%swap3A_166, %swap3A_167], %unpack3A_164 {strides = array<i32>} : memref<128x128xf32, #tpu.memory_space<vmem>>, vector<16xf32>,
          %swap3A_169 = arith.index_cast %add3A_127 : i32 to index
          %swap3A_170 = arith.constant 112 : index
          %swap3A_171 = tpu.vector_load %arg10[%swap3A_169, %swap3A_170] {strides = array<i32>} : memref<128x128xf32, #tpu.memory_space<vmem>>, vector<16xf32>,
          tpu.vector_store %arg10[%swap3A_169, %swap3A_170], %unpack3A_165 {strides = array<i32>} : memref<128x128xf32, #tpu.memory_space<vmem>>, vector<16xf32>,
        }
        %scan3A_114 = arith.constant 128 : i32
        "tpu.region"() ({
          %run_scoped3A_123 = tpu.sem_alloc : memref<!tpu.dma_semaphore, #tpu.memory_space<semaphore_mem>>
          %dma_start3A_124 = arith.constant 0 : i32
          %dma_start3A_125 = tpu.memref_slice %arg7[%add3A_81, %dma_start3A_124] : memref<40x128xi32, #tpu.memory_space<vmem>> -> memref<1x128xi32, #tpu.memory_space<vmem>>
          %dma_start3A_126 = tpu.memref_squeeze %dma_start3A_125 : memref<1x128xi32, #tpu.memory_space<vmem>> -> memref<128xi32, #tpu.memory_space<vmem>>
          %dma_start3A_127 = arith.constant 0 : i32
          %dma_start3A_128 = arith.constant 0 : i32
          %dma_start3A_129 = tpu.memref_slice %arg11[%dma_start3A_127, %dma_start3A_128] : memref<10008x128xf32, #tpu.memory_space<vmem_shared>> -> memref<10008x128xf32, #tpu.memory_space<vmem_shared>>
          tpu.enqueue_indirect_dma source(%arg10 : memref<128x128xf32, #tpu.memory_space<vmem>>) target(%dma_start3A_129 : memref<10008x128xf32, #tpu.memory_space<vmem_shared>>) offsets(%dma_start3A_126 : memref<128xi32, #tpu.memory_space<vmem>>) semaphore(%run_scoped3A_123 : memref<!tpu.dma_semaphore, #tpu.memory_space<semaphore_mem>>) {add = true}
          %dma_wait3A_130 = arith.constant 0 : i32
          %dma_wait3A_131 = tpu.memref_slice %arg7[%add3A_81, %dma_wait3A_130] : memref<40x128xi32, #tpu.memory_space<vmem>> -> memref<1x128xi32, #tpu.memory_space<vmem>>
          %dma_wait3A_132 = tpu.memref_squeeze %dma_wait3A_131 : memref<1x128xi32, #tpu.memory_space<vmem>> -> memref<128xi32, #tpu.memory_space<vmem>>
          %dma_wait3A_133 = arith.constant 0 : i32
          %dma_wait3A_134 = arith.constant 0 : i32
          %dma_wait3A_135 = tpu.memref_slice %arg11[%dma_wait3A_133, %dma_wait3A_134] : memref<10008x128xf32, #tpu.memory_space<vmem_shared>> -> memref<10008x128xf32, #tpu.memory_space<vmem_shared>>
          tpu.wait_indirect_dma semaphore(%run_scoped3A_123 : memref<!tpu.dma_semaphore, #tpu.memory_space<semaphore_mem>>) src(%arg10 : memref<128x128xf32, #tpu.memory_space<vmem>>) dst(%dma_wait3A_135 : memref<10008x128xf32, #tpu.memory_space<vmem_shared>>)
          tpu.yield
        }) : () -> ()
        %add3A_115 = arith.constant 1 : i32
        %add3A_116 = arith.addi %add3A_81, %add3A_115 : i32
        %dma_wait3A_117 = arith.constant 0 : i32
        %dma_wait3A_118 = tpu.memref_slice %arg6[%add3A_116, %dma_wait3A_117] : memref<40x128xi32, #tpu.memory_space<vmem>> -> memref<1x128xi32, #tpu.memory_space<vmem>>
        %dma_wait3A_119 = tpu.memref_squeeze %dma_wait3A_118 : memref<1x128xi32, #tpu.memory_space<vmem>> -> memref<128xi32, #tpu.memory_space<vmem>>
        %dma_wait3A_120 = arith.constant 0 : i32
        %dma_wait3A_121 = arith.constant 0 : i32
        %dma_wait3A_122 = tpu.memref_slice %arg2[%dma_wait3A_120, %dma_wait3A_121] : memref<20000x64xi32, #tpu.memory_space<hbm>> -> memref<20000x64xi32, #tpu.memory_space<hbm>>
        tpu.wait_indirect_dma semaphore(%arg13 : memref<!tpu.dma_semaphore, #tpu.memory_space<semaphore_mem>>) src(%dma_wait3A_122 : memref<20000x64xi32, #tpu.memory_space<hbm>>) dst(%arg9 : memref<128x64xi32, #tpu.memory_space<vmem>>)
      } else {
      }
      %not3A = arith.constant true
      %not3A_98 = arith.xori %eq3A_94, %not3A : i1
      %convert_element_type3A_99 = arith.extui %not3A_98 : i1 to i32
      %cond3A_100 = arith.constant 0 : i32
      %cond3A_101 = arith.cmpi ne, %convert_element_type3A_99, %cond3A_100 : i32
      scf.if %cond3A_101 {
        %add3A_102 = arith.constant 1 : i32
        %add3A_103 = arith.addi %add3A_81, %add3A_102 : i32
        %dma_start3A_104 = arith.constant 0 : i32
        %dma_start3A_105 = tpu.memref_slice %arg6[%add3A_103, %dma_start3A_104] : memref<40x128xi32, #tpu.memory_space<vmem>> -> memref<1x128xi32, #tpu.memory_space<vmem>>
        %dma_start3A_106 = tpu.memref_squeeze %dma_start3A_105 : memref<1x128xi32, #tpu.memory_space<vmem>> -> memref<128xi32, #tpu.memory_space<vmem>>
        %dma_start3A_107 = arith.constant 0 : i32
        %dma_start3A_108 = arith.constant 0 : i32
        %dma_start3A_109 = tpu.memref_slice %arg2[%dma_start3A_107, %dma_start3A_108] : memref<20000x64xi32, #tpu.memory_space<hbm>> -> memref<20000x64xi32, #tpu.memory_space<hbm>>
        tpu.enqueue_indirect_dma source(%dma_start3A_109 : memref<20000x64xi32, #tpu.memory_space<hbm>>) target(%arg8 : memref<128x64xi32, #tpu.memory_space<vmem>>) offsets(%dma_start3A_106 : memref<128xi32, #tpu.memory_space<vmem>>) semaphore(%arg12 : memref<!tpu.dma_semaphore, #tpu.memory_space<semaphore_mem>>)
        %scan3A_110 = arith.constant 0 : i32
        %scan3A_111 = arith.constant 128 : i32
        %scan3A_112 = arith.addi %scan3A_110, %scan3A_111 : i32
        %scan3A_113 = arith.constant 1 : i32
        scf.for %scan3A_123 = %scan3A_110 to %scan3A_112 step %scan3A_113  : i32 {
          %mul3A_124 = arith.constant 1 : i32
          %mul3A_125 = arith.muli %scan3A_123, %mul3A_124 : i32
          %add3A_126 = arith.constant 0 : i32
          %add3A_127 = arith.addi %add3A_126, %mul3A_125 : i32
          %get3A = arith.index_cast %add3A_127 : i32 to index
          %get3A_128 = arith.constant 0 : index
          %get3A_129 = tpu.vector_load %arg9[%get3A, %get3A_128] {strides = array<i32>} : memref<128x64xi32, #tpu.memory_space<vmem>>, vector<16xi32>,
          %bitcast3A = vector.bitcast %get3A_129 : vector<16xi32> to vector<32xbf16>
          %unpack3A = tpu.unpack_subelements %bitcast3A, 0 {pack_format = #tpu.pack_format<interleaved>} : vector<32xbf16> -> vector<16xf32>
          %unpack3A_130 = tpu.unpack_subelements %bitcast3A, 1 {pack_format = #tpu.pack_format<interleaved>} : vector<32xbf16> -> vector<16xf32>
          %swap3A = arith.index_cast %add3A_127 : i32 to index
          %swap3A_131 = arith.constant 0 : index
          %swap3A_132 = tpu.vector_load %arg10[%swap3A, %swap3A_131] {strides = array<i32>} : memref<128x128xf32, #tpu.memory_space<vmem>>, vector<16xf32>,
          tpu.vector_store %arg10[%swap3A, %swap3A_131], %unpack3A {strides = array<i32>} : memref<128x128xf32, #tpu.memory_space<vmem>>, vector<16xf32>,
          %swap3A_133 = arith.index_cast %add3A_127 : i32 to index
          %swap3A_134 = arith.constant 64 : index
          %swap3A_135 = tpu.vector_load %arg10[%swap3A_133, %swap3A_134] {strides = array<i32>} : memref<128x128xf32, #tpu.memory_space<vmem>>, vector<16xf32>,
          tpu.vector_store %arg10[%swap3A_133, %swap3A_134], %unpack3A_130 {strides = array<i32>} : memref<128x128xf32, #tpu.memory_space<vmem>>, vector<16xf32>,
          %get3A_136 = arith.index_cast %add3A_127 : i32 to index
          %get3A_137 = arith.constant 16 : index
          %get3A_138 = tpu.vector_load %arg9[%get3A_136, %get3A_137] {strides = array<i32>} : memref<128x64xi32, #tpu.memory_space<vmem>>, vector<16xi32>,
          %bitcast3A_139 = vector.bitcast %get3A_138 : vector<16xi32> to vector<32xbf16>
          %unpack3A_140 = tpu.unpack_subelements %bitcast3A_139, 0 {pack_format = #tpu.pack_format<interleaved>} : vector<32xbf16> -> vector<16xf32>
          %unpack3A_141 = tpu.unpack_subelements %bitcast3A_139, 1 {pack_format = #tpu.pack_format<interleaved>} : vector<32xbf16> -> vector<16xf32>
          %swap3A_142 = arith.index_cast %add3A_127 : i32 to index
          %swap3A_143 = arith.constant 16 : index
          %swap3A_144 = tpu.vector_load %arg10[%swap3A_142, %swap3A_143] {strides = array<i32>} : memref<128x128xf32, #tpu.memory_space<vmem>>, vector<16xf32>,
          tpu.vector_store %arg10[%swap3A_142, %swap3A_143], %unpack3A_140 {strides = array<i32>} : memref<128x128xf32, #tpu.memory_space<vmem>>, vector<16xf32>,
          %swap3A_145 = arith.index_cast %add3A_127 : i32 to index
          %swap3A_146 = arith.constant 80 : index
          %swap3A_147 = tpu.vector_load %arg10[%swap3A_145, %swap3A_146] {strides = array<i32>} : memref<128x128xf32, #tpu.memory_space<vmem>>, vector<16xf32>,
          tpu.vector_store %arg10[%swap3A_145, %swap3A_146], %unpack3A_141 {strides = array<i32>} : memref<128x128xf32, #tpu.memory_space<vmem>>, vector<16xf32>,
          %get3A_148 = arith.index_cast %add3A_127 : i32 to index
          %get3A_149 = arith.constant 32 : index
          %get3A_150 = tpu.vector_load %arg9[%get3A_148, %get3A_149] {strides = array<i32>} : memref<128x64xi32, #tpu.memory_space<vmem>>, vector<16xi32>,
          %bitcast3A_151 = vector.bitcast %get3A_150 : vector<16xi32> to vector<32xbf16>
          %unpack3A_152 = tpu.unpack_subelements %bitcast3A_151, 0 {pack_format = #tpu.pack_format<interleaved>} : vector<32xbf16> -> vector<16xf32>
          %unpack3A_153 = tpu.unpack_subelements %bitcast3A_151, 1 {pack_format = #tpu.pack_format<interleaved>} : vector<32xbf16> -> vector<16xf32>
          %swap3A_154 = arith.index_cast %add3A_127 : i32 to index
          %swap3A_155 = arith.constant 32 : index
          %swap3A_156 = tpu.vector_load %arg10[%swap3A_154, %swap3A_155] {strides = array<i32>} : memref<128x128xf32, #tpu.memory_space<vmem>>, vector<16xf32>,
          tpu.vector_store %arg10[%swap3A_154, %swap3A_155], %unpack3A_152 {strides = array<i32>} : memref<128x128xf32, #tpu.memory_space<vmem>>, vector<16xf32>,
          %swap3A_157 = arith.index_cast %add3A_127 : i32 to index
          %swap3A_158 = arith.constant 96 : index
          %swap3A_159 = tpu.vector_load %arg10[%swap3A_157, %swap3A_158] {strides = array<i32>} : memref<128x128xf32, #tpu.memory_space<vmem>>, vector<16xf32>,
          tpu.vector_store %arg10[%swap3A_157, %swap3A_158], %unpack3A_153 {strides = array<i32>} : memref<128x128xf32, #tpu.memory_space<vmem>>, vector<16xf32>,
          %get3A_160 = arith.index_cast %add3A_127 : i32 to index
          %get3A_161 = arith.constant 48 : index
          %get3A_162 = tpu.vector_load %arg9[%get3A_160, %get3A_161] {strides = array<i32>} : memref<128x64xi32, #tpu.memory_space<vmem>>, vector<16xi32>,
          %bitcast3A_163 = vector.bitcast %get3A_162 : vector<16xi32> to vector<32xbf16>
          %unpack3A_164 = tpu.unpack_subelements %bitcast3A_163, 0 {pack_format = #tpu.pack_format<interleaved>} : vector<32xbf16> -> vector<16xf32>
          %unpack3A_165 = tpu.unpack_subelements %bitcast3A_163, 1 {pack_format = #tpu.pack_format<interleaved>} : vector<32xbf16> -> vector<16xf32>
          %swap3A_166 = arith.index_cast %add3A_127 : i32 to index
          %swap3A_167 = arith.constant 48 : index
          %swap3A_168 = tpu.vector_load %arg10[%swap3A_166, %swap3A_167] {strides = array<i32>} : memref<128x128xf32, #tpu.memory_space<vmem>>, vector<16xf32>,
          tpu.vector_store %arg10[%swap3A_166, %swap3A_167], %unpack3A_164 {strides = array<i32>} : memref<128x128xf32, #tpu.memory_space<vmem>>, vector<16xf32>,
          %swap3A_169 = arith.index_cast %add3A_127 : i32 to index
          %swap3A_170 = arith.constant 112 : index
          %swap3A_171 = tpu.vector_load %arg10[%swap3A_169, %swap3A_170] {strides = array<i32>} : memref<128x128xf32, #tpu.memory_space<vmem>>, vector<16xf32>,
          tpu.vector_store %arg10[%swap3A_169, %swap3A_170], %unpack3A_165 {strides = array<i32>} : memref<128x128xf32, #tpu.memory_space<vmem>>, vector<16xf32>,
        }
        %scan3A_114 = arith.constant 128 : i32
        "tpu.region"() ({
          %run_scoped3A_123 = tpu.sem_alloc : memref<!tpu.dma_semaphore, #tpu.memory_space<semaphore_mem>>
          %dma_start3A_124 = arith.constant 0 : i32
          %dma_start3A_125 = tpu.memref_slice %arg7[%add3A_81, %dma_start3A_124] : memref<40x128xi32, #tpu.memory_space<vmem>> -> memref<1x128xi32, #tpu.memory_space<vmem>>
          %dma_start3A_126 = tpu.memref_squeeze %dma_start3A_125 : memref<1x128xi32, #tpu.memory_space<vmem>> -> memref<128xi32, #tpu.memory_space<vmem>>
          %dma_start3A_127 = arith.constant 0 : i32
          %dma_start3A_128 = arith.constant 0 : i32
          %dma_start3A_129 = tpu.memref_slice %arg11[%dma_start3A_127, %dma_start3A_128] : memref<10008x128xf32, #tpu.memory_space<vmem_shared>> -> memref<10008x128xf32, #tpu.memory_space<vmem_shared>>
          tpu.enqueue_indirect_dma source(%arg10 : memref<128x128xf32, #tpu.memory_space<vmem>>) target(%dma_start3A_129 : memref<10008x128xf32, #tpu.memory_space<vmem_shared>>) offsets(%dma_start3A_126 : memref<128xi32, #tpu.memory_space<vmem>>) semaphore(%run_scoped3A_123 : memref<!tpu.dma_semaphore, #tpu.memory_space<semaphore_mem>>) {add = true}
          %dma_wait3A_130 = arith.constant 0 : i32
          %dma_wait3A_131 = tpu.memref_slice %arg7[%add3A_81, %dma_wait3A_130] : memref<40x128xi32, #tpu.memory_space<vmem>> -> memref<1x128xi32, #tpu.memory_space<vmem>>
          %dma_wait3A_132 = tpu.memref_squeeze %dma_wait3A_131 : memref<1x128xi32, #tpu.memory_space<vmem>> -> memref<128xi32, #tpu.memory_space<vmem>>
          %dma_wait3A_133 = arith.constant 0 : i32
          %dma_wait3A_134 = arith.constant 0 : i32
          %dma_wait3A_135 = tpu.memref_slice %arg11[%dma_wait3A_133, %dma_wait3A_134] : memref<10008x128xf32, #tpu.memory_space<vmem_shared>> -> memref<10008x128xf32, #tpu.memory_space<vmem_shared>>
          tpu.wait_indirect_dma semaphore(%run_scoped3A_123 : memref<!tpu.dma_semaphore, #tpu.memory_space<semaphore_mem>>) src(%arg10 : memref<128x128xf32, #tpu.memory_space<vmem>>) dst(%dma_wait3A_135 : memref<10008x128xf32, #tpu.memory_space<vmem_shared>>)
          tpu.yield
        }) : () -> ()
        %add3A_115 = arith.constant 1 : i32
        %add3A_116 = arith.addi %add3A_81, %add3A_115 : i32
        %dma_wait3A_117 = arith.constant 0 : i32
        %dma_wait3A_118 = tpu.memref_slice %arg6[%add3A_116, %dma_wait3A_117] : memref<40x128xi32, #tpu.memory_space<vmem>> -> memref<1x128xi32, #tpu.memory_space<vmem>>
        %dma_wait3A_119 = tpu.memref_squeeze %dma_wait3A_118 : memref<1x128xi32, #tpu.memory_space<vmem>> -> memref<128xi32, #tpu.memory_space<vmem>>
        %dma_wait3A_120 = arith.constant 0 : i32
        %dma_wait3A_121 = arith.constant 0 : i32
        %dma_wait3A_122 = tpu.memref_slice %arg2[%dma_wait3A_120, %dma_wait3A_121] : memref<20000x64xi32, #tpu.memory_space<hbm>> -> memref<20000x64xi32, #tpu.memory_space<hbm>>
        tpu.wait_indirect_dma semaphore(%arg12 : memref<!tpu.dma_semaphore, #tpu.memory_space<semaphore_mem>>) src(%dma_wait3A_122 : memref<20000x64xi32, #tpu.memory_space<hbm>>) dst(%arg8 : memref<128x64xi32, #tpu.memory_space<vmem>>)
      } else {
      }
    }
    %scan3A_35 = arith.constant 39 : i32
    %scan3A_36 = arith.constant 0 : i32
    %scan3A_37 = arith.constant 128 : i32
    %scan3A_38 = arith.addi %scan3A_36, %scan3A_37 : i32
    %scan3A_39 = arith.constant 1 : i32
    scf.for %scan3A_77 = %scan3A_36 to %scan3A_38 step %scan3A_39  : i32 {
      %mul3A_78 = arith.constant 1 : i32
      %mul3A_79 = arith.muli %scan3A_77, %mul3A_78 : i32
      %add3A_80 = arith.constant 0 : i32
      %add3A_81 = arith.addi %add3A_80, %mul3A_79 : i32
      %get3A = arith.index_cast %add3A_81 : i32 to index
      %get3A_82 = arith.constant 0 : index
      %get3A_83 = tpu.vector_load %arg9[%get3A, %get3A_82] {strides = array<i32>} : memref<128x64xi32, #tpu.memory_space<vmem>>, vector<16xi32>,
      %bitcast3A = vector.bitcast %get3A_83 : vector<16xi32> to vector<32xbf16>
      %unpack3A = tpu.unpack_subelements %bitcast3A, 0 {pack_format = #tpu.pack_format<interleaved>} : vector<32xbf16> -> vector<16xf32>
      %unpack3A_84 = tpu.unpack_subelements %bitcast3A, 1 {pack_format = #tpu.pack_format<interleaved>} : vector<32xbf16> -> vector<16xf32>
      %swap3A = arith.index_cast %add3A_81 : i32 to index
      %swap3A_85 = arith.constant 0 : index
      %swap3A_86 = tpu.vector_load %arg10[%swap3A, %swap3A_85] {strides = array<i32>} : memref<128x128xf32, #tpu.memory_space<vmem>>, vector<16xf32>,
      tpu.vector_store %arg10[%swap3A, %swap3A_85], %unpack3A {strides = array<i32>} : memref<128x128xf32, #tpu.memory_space<vmem>>, vector<16xf32>,
      %swap3A_87 = arith.index_cast %add3A_81 : i32 to index
      %swap3A_88 = arith.constant 64 : index
      %swap3A_89 = tpu.vector_load %arg10[%swap3A_87, %swap3A_88] {strides = array<i32>} : memref<128x128xf32, #tpu.memory_space<vmem>>, vector<16xf32>,
      tpu.vector_store %arg10[%swap3A_87, %swap3A_88], %unpack3A_84 {strides = array<i32>} : memref<128x128xf32, #tpu.memory_space<vmem>>, vector<16xf32>,
      %get3A_90 = arith.index_cast %add3A_81 : i32 to index
      %get3A_91 = arith.constant 16 : index
      %get3A_92 = tpu.vector_load %arg9[%get3A_90, %get3A_91] {strides = array<i32>} : memref<128x64xi32, #tpu.memory_space<vmem>>, vector<16xi32>,
      %bitcast3A_93 = vector.bitcast %get3A_92 : vector<16xi32> to vector<32xbf16>
      %unpack3A_94 = tpu.unpack_subelements %bitcast3A_93, 0 {pack_format = #tpu.pack_format<interleaved>} : vector<32xbf16> -> vector<16xf32>
      %unpack3A_95 = tpu.unpack_subelements %bitcast3A_93, 1 {pack_format = #tpu.pack_format<interleaved>} : vector<32xbf16> -> vector<16xf32>
      %swap3A_96 = arith.index_cast %add3A_81 : i32 to index
      %swap3A_97 = arith.constant 16 : index
      %swap3A_98 = tpu.vector_load %arg10[%swap3A_96, %swap3A_97] {strides = array<i32>} : memref<128x128xf32, #tpu.memory_space<vmem>>, vector<16xf32>,
      tpu.vector_store %arg10[%swap3A_96, %swap3A_97], %unpack3A_94 {strides = array<i32>} : memref<128x128xf32, #tpu.memory_space<vmem>>, vector<16xf32>,
      %swap3A_99 = arith.index_cast %add3A_81 : i32 to index
      %swap3A_100 = arith.constant 80 : index
      %swap3A_101 = tpu.vector_load %arg10[%swap3A_99, %swap3A_100] {strides = array<i32>} : memref<128x128xf32, #tpu.memory_space<vmem>>, vector<16xf32>,
      tpu.vector_store %arg10[%swap3A_99, %swap3A_100], %unpack3A_95 {strides = array<i32>} : memref<128x128xf32, #tpu.memory_space<vmem>>, vector<16xf32>,
      %get3A_102 = arith.index_cast %add3A_81 : i32 to index
      %get3A_103 = arith.constant 32 : index
      %get3A_104 = tpu.vector_load %arg9[%get3A_102, %get3A_103] {strides = array<i32>} : memref<128x64xi32, #tpu.memory_space<vmem>>, vector<16xi32>,
      %bitcast3A_105 = vector.bitcast %get3A_104 : vector<16xi32> to vector<32xbf16>
      %unpack3A_106 = tpu.unpack_subelements %bitcast3A_105, 0 {pack_format = #tpu.pack_format<interleaved>} : vector<32xbf16> -> vector<16xf32>
      %unpack3A_107 = tpu.unpack_subelements %bitcast3A_105, 1 {pack_format = #tpu.pack_format<interleaved>} : vector<32xbf16> -> vector<16xf32>
      %swap3A_108 = arith.index_cast %add3A_81 : i32 to index
      %swap3A_109 = arith.constant 32 : index
      %swap3A_110 = tpu.vector_load %arg10[%swap3A_108, %swap3A_109] {strides = array<i32>} : memref<128x128xf32, #tpu.memory_space<vmem>>, vector<16xf32>,
      tpu.vector_store %arg10[%swap3A_108, %swap3A_109], %unpack3A_106 {strides = array<i32>} : memref<128x128xf32, #tpu.memory_space<vmem>>, vector<16xf32>,
      %swap3A_111 = arith.index_cast %add3A_81 : i32 to index
      %swap3A_112 = arith.constant 96 : index
      %swap3A_113 = tpu.vector_load %arg10[%swap3A_111, %swap3A_112] {strides = array<i32>} : memref<128x128xf32, #tpu.memory_space<vmem>>, vector<16xf32>,
      tpu.vector_store %arg10[%swap3A_111, %swap3A_112], %unpack3A_107 {strides = array<i32>} : memref<128x128xf32, #tpu.memory_space<vmem>>, vector<16xf32>,
      %get3A_114 = arith.index_cast %add3A_81 : i32 to index
      %get3A_115 = arith.constant 48 : index
      %get3A_116 = tpu.vector_load %arg9[%get3A_114, %get3A_115] {strides = array<i32>} : memref<128x64xi32, #tpu.memory_space<vmem>>, vector<16xi32>,
      %bitcast3A_117 = vector.bitcast %get3A_116 : vector<16xi32> to vector<32xbf16>
      %unpack3A_118 = tpu.unpack_subelements %bitcast3A_117, 0 {pack_format = #tpu.pack_format<interleaved>} : vector<32xbf16> -> vector<16xf32>
      %unpack3A_119 = tpu.unpack_subelements %bitcast3A_117, 1 {pack_format = #tpu.pack_format<interleaved>} : vector<32xbf16> -> vector<16xf32>
      %swap3A_120 = arith.index_cast %add3A_81 : i32 to index
      %swap3A_121 = arith.constant 48 : index
      %swap3A_122 = tpu.vector_load %arg10[%swap3A_120, %swap3A_121] {strides = array<i32>} : memref<128x128xf32, #tpu.memory_space<vmem>>, vector<16xf32>,
      tpu.vector_store %arg10[%swap3A_120, %swap3A_121], %unpack3A_118 {strides = array<i32>} : memref<128x128xf32, #tpu.memory_space<vmem>>, vector<16xf32>,
      %swap3A_123 = arith.index_cast %add3A_81 : i32 to index
      %swap3A_124 = arith.constant 112 : index
      %swap3A_125 = tpu.vector_load %arg10[%swap3A_123, %swap3A_124] {strides = array<i32>} : memref<128x128xf32, #tpu.memory_space<vmem>>, vector<16xf32>,
      tpu.vector_store %arg10[%swap3A_123, %swap3A_124], %unpack3A_119 {strides = array<i32>} : memref<128x128xf32, #tpu.memory_space<vmem>>, vector<16xf32>,
    }
    %scan3A_40 = arith.constant 128 : i32
    %run_scoped3A = arith.constant 39 : i32
    "tpu.region"() ({
      %run_scoped3A_77 = tpu.sem_alloc : memref<!tpu.dma_semaphore, #tpu.memory_space<semaphore_mem>>
      %dma_start3A_78 = arith.constant 0 : i32
      %dma_start3A_79 = tpu.memref_slice %arg7[%run_scoped3A, %dma_start3A_78] : memref<40x128xi32, #tpu.memory_space<vmem>> -> memref<1x128xi32, #tpu.memory_space<vmem>>
      %dma_start3A_80 = tpu.memref_squeeze %dma_start3A_79 : memref<1x128xi32, #tpu.memory_space<vmem>> -> memref<128xi32, #tpu.memory_space<vmem>>
      %dma_start3A_81 = arith.constant 0 : i32
      %dma_start3A_82 = arith.constant 0 : i32
      %dma_start3A_83 = tpu.memref_slice %arg11[%dma_start3A_81, %dma_start3A_82] : memref<10008x128xf32, #tpu.memory_space<vmem_shared>> -> memref<10008x128xf32, #tpu.memory_space<vmem_shared>>
      tpu.enqueue_indirect_dma source(%arg10 : memref<128x128xf32, #tpu.memory_space<vmem>>) target(%dma_start3A_83 : memref<10008x128xf32, #tpu.memory_space<vmem_shared>>) offsets(%dma_start3A_80 : memref<128xi32, #tpu.memory_space<vmem>>) semaphore(%run_scoped3A_77 : memref<!tpu.dma_semaphore, #tpu.memory_space<semaphore_mem>>) {add = true}
      %dma_wait3A_84 = arith.constant 0 : i32
      %dma_wait3A_85 = tpu.memref_slice %arg7[%run_scoped3A, %dma_wait3A_84] : memref<40x128xi32, #tpu.memory_space<vmem>> -> memref<1x128xi32, #tpu.memory_space<vmem>>
      %dma_wait3A_86 = tpu.memref_squeeze %dma_wait3A_85 : memref<1x128xi32, #tpu.memory_space<vmem>> -> memref<128xi32, #tpu.memory_space<vmem>>
      %dma_wait3A_87 = arith.constant 0 : i32
      %dma_wait3A_88 = arith.constant 0 : i32
      %dma_wait3A_89 = tpu.memref_slice %arg11[%dma_wait3A_87, %dma_wait3A_88] : memref<10008x128xf32, #tpu.memory_space<vmem_shared>> -> memref<10008x128xf32, #tpu.memory_space<vmem_shared>>
      tpu.wait_indirect_dma semaphore(%run_scoped3A_77 : memref<!tpu.dma_semaphore, #tpu.memory_space<semaphore_mem>>) src(%arg10 : memref<128x128xf32, #tpu.memory_space<vmem>>) dst(%dma_wait3A_89 : memref<10008x128xf32, #tpu.memory_space<vmem_shared>>)
      tpu.yield
    }) : () -> ()
    "tpu.region"() ({
      %run_scoped3A_77 = tpu.sem_alloc : memref<!tpu.dma_semaphore, #tpu.memory_space<semaphore_mem>>
      %dma_start3A_78 = arith.constant 40 : i32
      %dma_start3A_79 = arith.constant 0 : i32
      %dma_start3A_80 = tpu.memref_slice %arg3[%add3A_18, %dma_start3A_78, %dma_start3A_79] : memref<32x80x128xi32, #tpu.memory_space<hbm>> -> memref<1x40x128xi32, #tpu.memory_space<hbm>>
      %dma_start3A_81 = tpu.memref_squeeze %dma_start3A_80 : memref<1x40x128xi32, #tpu.memory_space<hbm>> -> memref<40x128xi32, #tpu.memory_space<hbm>>
      %dma_start3A_82 = arith.constant 40 : i32
      %dma_start3A_83 = arith.constant 0 : i32
      %dma_start3A_84 = tpu.memref_slice %arg3[%add3A_18, %dma_start3A_82, %dma_start3A_83] : memref<32x80x128xi32, #tpu.memory_space<hbm>> -> memref<1x40x128xi32, #tpu.memory_space<hbm>>
      %dma_start3A_85 = tpu.memref_squeeze %dma_start3A_84 : memref<1x40x128xi32, #tpu.memory_space<hbm>> -> memref<40x128xi32, #tpu.memory_space<hbm>>
      tpu.enqueue_dma source(%dma_start3A_85 : memref<40x128xi32, #tpu.memory_space<hbm>>) target(%arg6 : memref<40x128xi32, #tpu.memory_space<vmem>>) target_semaphore(%run_scoped3A_77 : memref<!tpu.dma_semaphore, #tpu.memory_space<semaphore_mem>>)
      %dma_wait3A_86 = arith.constant 40 : i32
      %dma_wait3A_87 = arith.constant 0 : i32
      %dma_wait3A_88 = tpu.memref_slice %arg3[%add3A_18, %dma_wait3A_86, %dma_wait3A_87] : memref<32x80x128xi32, #tpu.memory_space<hbm>> -> memref<1x40x128xi32, #tpu.memory_space<hbm>>
      %dma_wait3A_89 = tpu.memref_squeeze %dma_wait3A_88 : memref<1x40x128xi32, #tpu.memory_space<hbm>> -> memref<40x128xi32, #tpu.memory_space<hbm>>
      %dma_wait3A_90 = arith.constant 40 : i32
      %dma_wait3A_91 = arith.constant 0 : i32
      %dma_wait3A_92 = tpu.memref_slice %arg3[%add3A_18, %dma_wait3A_90, %dma_wait3A_91] : memref<32x80x128xi32, #tpu.memory_space<hbm>> -> memref<1x40x128xi32, #tpu.memory_space<hbm>>
      %dma_wait3A_93 = tpu.memref_squeeze %dma_wait3A_92 : memref<1x40x128xi32, #tpu.memory_space<hbm>> -> memref<40x128xi32, #tpu.memory_space<hbm>>
      tpu.wait_dma2 semaphore(%run_scoped3A_77 : memref<!tpu.dma_semaphore, #tpu.memory_space<semaphore_mem>>) src(%dma_wait3A_93 : memref<40x128xi32, #tpu.memory_space<hbm>>) dst(%arg6 : memref<40x128xi32, #tpu.memory_space<vmem>>)
      tpu.yield
    }) : () -> ()
    "tpu.region"() ({
      %run_scoped3A_77 = tpu.sem_alloc : memref<!tpu.dma_semaphore, #tpu.memory_space<semaphore_mem>>
      %dma_start3A_78 = arith.constant 40 : i32
      %dma_start3A_79 = arith.constant 0 : i32
      %dma_start3A_80 = tpu.memref_slice %arg4[%arg1, %dma_start3A_78, %dma_start3A_79] : memref<16x80x128xi32, #tpu.memory_space<hbm>> -> memref<1x40x128xi32, #tpu.memory_space<hbm>>
      %dma_start3A_81 = tpu.memref_squeeze %dma_start3A_80 : memref<1x40x128xi32, #tpu.memory_space<hbm>> -> memref<40x128xi32, #tpu.memory_space<hbm>>
      %dma_start3A_82 = arith.constant 40 : i32
      %dma_start3A_83 = arith.constant 0 : i32
      %dma_start3A_84 = tpu.memref_slice %arg4[%arg1, %dma_start3A_82, %dma_start3A_83] : memref<16x80x128xi32, #tpu.memory_space<hbm>> -> memref<1x40x128xi32, #tpu.memory_space<hbm>>
      %dma_start3A_85 = tpu.memref_squeeze %dma_start3A_84 : memref<1x40x128xi32, #tpu.memory_space<hbm>> -> memref<40x128xi32, #tpu.memory_space<hbm>>
      tpu.enqueue_dma source(%dma_start3A_85 : memref<40x128xi32, #tpu.memory_space<hbm>>) target(%arg7 : memref<40x128xi32, #tpu.memory_space<vmem>>) target_semaphore(%run_scoped3A_77 : memref<!tpu.dma_semaphore, #tpu.memory_space<semaphore_mem>>)
      %dma_wait3A_86 = arith.constant 40 : i32
      %dma_wait3A_87 = arith.constant 0 : i32
      %dma_wait3A_88 = tpu.memref_slice %arg4[%arg1, %dma_wait3A_86, %dma_wait3A_87] : memref<16x80x128xi32, #tpu.memory_space<hbm>> -> memref<1x40x128xi32, #tpu.memory_space<hbm>>
      %dma_wait3A_89 = tpu.memref_squeeze %dma_wait3A_88 : memref<1x40x128xi32, #tpu.memory_space<hbm>> -> memref<40x128xi32, #tpu.memory_space<hbm>>
      %dma_wait3A_90 = arith.constant 40 : i32
      %dma_wait3A_91 = arith.constant 0 : i32
      %dma_wait3A_92 = tpu.memref_slice %arg4[%arg1, %dma_wait3A_90, %dma_wait3A_91] : memref<16x80x128xi32, #tpu.memory_space<hbm>> -> memref<1x40x128xi32, #tpu.memory_space<hbm>>
      %dma_wait3A_93 = tpu.memref_squeeze %dma_wait3A_92 : memref<1x40x128xi32, #tpu.memory_space<hbm>> -> memref<40x128xi32, #tpu.memory_space<hbm>>
      tpu.wait_dma2 semaphore(%run_scoped3A_77 : memref<!tpu.dma_semaphore, #tpu.memory_space<semaphore_mem>>) src(%dma_wait3A_93 : memref<40x128xi32, #tpu.memory_space<hbm>>) dst(%arg7 : memref<40x128xi32, #tpu.memory_space<vmem>>)
      tpu.yield
    }) : () -> ()
    %dma_start3A_41 = arith.constant 0 : i32
    %dma_start3A_42 = arith.constant 0 : i32
    %dma_start3A_43 = tpu.memref_slice %arg6[%dma_start3A_41, %dma_start3A_42] : memref<40x128xi32, #tpu.memory_space<vmem>> -> memref<1x128xi32, #tpu.memory_space<vmem>>
    %dma_start3A_44 = tpu.memref_squeeze %dma_start3A_43 : memref<1x128xi32, #tpu.memory_space<vmem>> -> memref<128xi32, #tpu.memory_space<vmem>>
    %dma_start3A_45 = arith.constant 0 : i32
    %dma_start3A_46 = arith.constant 0 : i32
    %dma_start3A_47 = tpu.memref_slice %arg2[%dma_start3A_45, %dma_start3A_46] : memref<20000x64xi32, #tpu.memory_space<hbm>> -> memref<20000x64xi32, #tpu.memory_space<hbm>>
    tpu.enqueue_indirect_dma source(%dma_start3A_47 : memref<20000x64xi32, #tpu.memory_space<hbm>>) target(%arg8 : memref<128x64xi32, #tpu.memory_space<vmem>>) offsets(%dma_start3A_44 : memref<128xi32, #tpu.memory_space<vmem>>) semaphore(%arg12 : memref<!tpu.dma_semaphore, #tpu.memory_space<semaphore_mem>>)
    %dma_wait3A_48 = arith.constant 0 : i32
    %dma_wait3A_49 = arith.constant 0 : i32
    %dma_wait3A_50 = tpu.memref_slice %arg6[%dma_wait3A_48, %dma_wait3A_49] : memref<40x128xi32, #tpu.memory_space<vmem>> -> memref<1x128xi32, #tpu.memory_space<vmem>>
    %dma_wait3A_51 = tpu.memref_squeeze %dma_wait3A_50 : memref<1x128xi32, #tpu.memory_space<vmem>> -> memref<128xi32, #tpu.memory_space<vmem>>
    %dma_wait3A_52 = arith.constant 0 : i32
    %dma_wait3A_53 = arith.constant 0 : i32
    %dma_wait3A_54 = tpu.memref_slice %arg2[%dma_wait3A_52, %dma_wait3A_53] : memref<20000x64xi32, #tpu.memory_space<hbm>> -> memref<20000x64xi32, #tpu.memory_space<hbm>>
    tpu.wait_indirect_dma semaphore(%arg12 : memref<!tpu.dma_semaphore, #tpu.memory_space<semaphore_mem>>) src(%dma_wait3A_54 : memref<20000x64xi32, #tpu.memory_space<hbm>>) dst(%arg8 : memref<128x64xi32, #tpu.memory_space<vmem>>)
    %scan3A_55 = arith.constant 0 : i32
    %scan3A_56 = arith.constant 39 : i32
    %scan3A_57 = arith.addi %scan3A_55, %scan3A_56 : i32
    %scan3A_58 = arith.constant 1 : i32
    scf.for %scan3A_77 = %scan3A_55 to %scan3A_57 step %scan3A_58  : i32 {
      %mul3A_78 = arith.constant 1 : i32
      %mul3A_79 = arith.muli %scan3A_77, %mul3A_78 : i32
      %add3A_80 = arith.constant 0 : i32
      %add3A_81 = arith.addi %add3A_80, %mul3A_79 : i32
      %jit3A = arith.constant 2 : i32
      %eq3A_82 = arith.constant 0 : i32
      %eq3A_83 = arith.cmpi eq, %jit3A, %eq3A_82 : i32
      %jit3A_84 = arith.constant 1 : i32
      %select_n3A = arith.select %eq3A_83, %jit3A_84, %jit3A : i32
      %rem3A = arith.remsi %add3A_81, %select_n3A : i32
      %ne3A = arith.constant 0 : i32
      %ne3A_85 = arith.cmpi ne, %rem3A, %ne3A : i32
      %lt3A_86 = arith.constant 0 : i32
      %lt3A_87 = arith.cmpi slt, %rem3A, %lt3A_86 : i32
      %lt3A_88 = arith.constant 0 : i32
      %lt3A_89 = arith.cmpi slt, %select_n3A, %lt3A_88 : i32
      %ne3A_90 = arith.xori %lt3A_87, %lt3A_89 : i1
      %and3A = arith.andi %ne3A_90, %ne3A_85 : i1
      %add3A_91 = arith.addi %rem3A, %select_n3A : i32
      %select_n3A_92 = arith.select %and3A, %add3A_91, %rem3A : i32
      %eq3A_93 = arith.constant 0 : i32
      %eq3A_94 = arith.cmpi eq, %select_n3A_92, %eq3A_93 : i32
      %convert_element_type3A_95 = arith.extui %eq3A_94 : i1 to i32
      %cond3A_96 = arith.constant 0 : i32
      %cond3A_97 = arith.cmpi ne, %convert_element_type3A_95, %cond3A_96 : i32
      scf.if %cond3A_97 {
        %add3A_102 = arith.constant 1 : i32
        %add3A_103 = arith.addi %add3A_81, %add3A_102 : i32
        %dma_start3A_104 = arith.constant 0 : i32
        %dma_start3A_105 = tpu.memref_slice %arg6[%add3A_103, %dma_start3A_104] : memref<40x128xi32, #tpu.memory_space<vmem>> -> memref<1x128xi32, #tpu.memory_space<vmem>>
        %dma_start3A_106 = tpu.memref_squeeze %dma_start3A_105 : memref<1x128xi32, #tpu.memory_space<vmem>> -> memref<128xi32, #tpu.memory_space<vmem>>
        %dma_start3A_107 = arith.constant 0 : i32
        %dma_start3A_108 = arith.constant 0 : i32
        %dma_start3A_109 = tpu.memref_slice %arg2[%dma_start3A_107, %dma_start3A_108] : memref<20000x64xi32, #tpu.memory_space<hbm>> -> memref<20000x64xi32, #tpu.memory_space<hbm>>
        tpu.enqueue_indirect_dma source(%dma_start3A_109 : memref<20000x64xi32, #tpu.memory_space<hbm>>) target(%arg9 : memref<128x64xi32, #tpu.memory_space<vmem>>) offsets(%dma_start3A_106 : memref<128xi32, #tpu.memory_space<vmem>>) semaphore(%arg13 : memref<!tpu.dma_semaphore, #tpu.memory_space<semaphore_mem>>)
        %scan3A_110 = arith.constant 0 : i32
        %scan3A_111 = arith.constant 128 : i32
        %scan3A_112 = arith.addi %scan3A_110, %scan3A_111 : i32
        %scan3A_113 = arith.constant 1 : i32
        scf.for %scan3A_123 = %scan3A_110 to %scan3A_112 step %scan3A_113  : i32 {
          %mul3A_124 = arith.constant 1 : i32
          %mul3A_125 = arith.muli %scan3A_123, %mul3A_124 : i32
          %add3A_126 = arith.constant 0 : i32
          %add3A_127 = arith.addi %add3A_126, %mul3A_125 : i32
          %get3A = arith.index_cast %add3A_127 : i32 to index
          %get3A_128 = arith.constant 0 : index
          %get3A_129 = tpu.vector_load %arg8[%get3A, %get3A_128] {strides = array<i32>} : memref<128x64xi32, #tpu.memory_space<vmem>>, vector<16xi32>,
          %bitcast3A = vector.bitcast %get3A_129 : vector<16xi32> to vector<32xbf16>
          %unpack3A = tpu.unpack_subelements %bitcast3A, 0 {pack_format = #tpu.pack_format<interleaved>} : vector<32xbf16> -> vector<16xf32>
          %unpack3A_130 = tpu.unpack_subelements %bitcast3A, 1 {pack_format = #tpu.pack_format<interleaved>} : vector<32xbf16> -> vector<16xf32>
          %swap3A = arith.index_cast %add3A_127 : i32 to index
          %swap3A_131 = arith.constant 0 : index
          %swap3A_132 = tpu.vector_load %arg10[%swap3A, %swap3A_131] {strides = array<i32>} : memref<128x128xf32, #tpu.memory_space<vmem>>, vector<16xf32>,
          tpu.vector_store %arg10[%swap3A, %swap3A_131], %unpack3A {strides = array<i32>} : memref<128x128xf32, #tpu.memory_space<vmem>>, vector<16xf32>,
          %swap3A_133 = arith.index_cast %add3A_127 : i32 to index
          %swap3A_134 = arith.constant 64 : index
          %swap3A_135 = tpu.vector_load %arg10[%swap3A_133, %swap3A_134] {strides = array<i32>} : memref<128x128xf32, #tpu.memory_space<vmem>>, vector<16xf32>,
          tpu.vector_store %arg10[%swap3A_133, %swap3A_134], %unpack3A_130 {strides = array<i32>} : memref<128x128xf32, #tpu.memory_space<vmem>>, vector<16xf32>,
          %get3A_136 = arith.index_cast %add3A_127 : i32 to index
          %get3A_137 = arith.constant 16 : index
          %get3A_138 = tpu.vector_load %arg8[%get3A_136, %get3A_137] {strides = array<i32>} : memref<128x64xi32, #tpu.memory_space<vmem>>, vector<16xi32>,
          %bitcast3A_139 = vector.bitcast %get3A_138 : vector<16xi32> to vector<32xbf16>
          %unpack3A_140 = tpu.unpack_subelements %bitcast3A_139, 0 {pack_format = #tpu.pack_format<interleaved>} : vector<32xbf16> -> vector<16xf32>
          %unpack3A_141 = tpu.unpack_subelements %bitcast3A_139, 1 {pack_format = #tpu.pack_format<interleaved>} : vector<32xbf16> -> vector<16xf32>
          %swap3A_142 = arith.index_cast %add3A_127 : i32 to index
          %swap3A_143 = arith.constant 16 : index
          %swap3A_144 = tpu.vector_load %arg10[%swap3A_142, %swap3A_143] {strides = array<i32>} : memref<128x128xf32, #tpu.memory_space<vmem>>, vector<16xf32>,
          tpu.vector_store %arg10[%swap3A_142, %swap3A_143], %unpack3A_140 {strides = array<i32>} : memref<128x128xf32, #tpu.memory_space<vmem>>, vector<16xf32>,
          %swap3A_145 = arith.index_cast %add3A_127 : i32 to index
          %swap3A_146 = arith.constant 80 : index
          %swap3A_147 = tpu.vector_load %arg10[%swap3A_145, %swap3A_146] {strides = array<i32>} : memref<128x128xf32, #tpu.memory_space<vmem>>, vector<16xf32>,
          tpu.vector_store %arg10[%swap3A_145, %swap3A_146], %unpack3A_141 {strides = array<i32>} : memref<128x128xf32, #tpu.memory_space<vmem>>, vector<16xf32>,
          %get3A_148 = arith.index_cast %add3A_127 : i32 to index
          %get3A_149 = arith.constant 32 : index
          %get3A_150 = tpu.vector_load %arg8[%get3A_148, %get3A_149] {strides = array<i32>} : memref<128x64xi32, #tpu.memory_space<vmem>>, vector<16xi32>,
          %bitcast3A_151 = vector.bitcast %get3A_150 : vector<16xi32> to vector<32xbf16>
          %unpack3A_152 = tpu.unpack_subelements %bitcast3A_151, 0 {pack_format = #tpu.pack_format<interleaved>} : vector<32xbf16> -> vector<16xf32>
          %unpack3A_153 = tpu.unpack_subelements %bitcast3A_151, 1 {pack_format = #tpu.pack_format<interleaved>} : vector<32xbf16> -> vector<16xf32>
          %swap3A_154 = arith.index_cast %add3A_127 : i32 to index
          %swap3A_155 = arith.constant 32 : index
          %swap3A_156 = tpu.vector_load %arg10[%swap3A_154, %swap3A_155] {strides = array<i32>} : memref<128x128xf32, #tpu.memory_space<vmem>>, vector<16xf32>,
          tpu.vector_store %arg10[%swap3A_154, %swap3A_155], %unpack3A_152 {strides = array<i32>} : memref<128x128xf32, #tpu.memory_space<vmem>>, vector<16xf32>,
          %swap3A_157 = arith.index_cast %add3A_127 : i32 to index
          %swap3A_158 = arith.constant 96 : index
          %swap3A_159 = tpu.vector_load %arg10[%swap3A_157, %swap3A_158] {strides = array<i32>} : memref<128x128xf32, #tpu.memory_space<vmem>>, vector<16xf32>,
          tpu.vector_store %arg10[%swap3A_157, %swap3A_158], %unpack3A_153 {strides = array<i32>} : memref<128x128xf32, #tpu.memory_space<vmem>>, vector<16xf32>,
          %get3A_160 = arith.index_cast %add3A_127 : i32 to index
          %get3A_161 = arith.constant 48 : index
          %get3A_162 = tpu.vector_load %arg8[%get3A_160, %get3A_161] {strides = array<i32>} : memref<128x64xi32, #tpu.memory_space<vmem>>, vector<16xi32>,
          %bitcast3A_163 = vector.bitcast %get3A_162 : vector<16xi32> to vector<32xbf16>
          %unpack3A_164 = tpu.unpack_subelements %bitcast3A_163, 0 {pack_format = #tpu.pack_format<interleaved>} : vector<32xbf16> -> vector<16xf32>
          %unpack3A_165 = tpu.unpack_subelements %bitcast3A_163, 1 {pack_format = #tpu.pack_format<interleaved>} : vector<32xbf16> -> vector<16xf32>
          %swap3A_166 = arith.index_cast %add3A_127 : i32 to index
          %swap3A_167 = arith.constant 48 : index
          %swap3A_168 = tpu.vector_load %arg10[%swap3A_166, %swap3A_167] {strides = array<i32>} : memref<128x128xf32, #tpu.memory_space<vmem>>, vector<16xf32>,
          tpu.vector_store %arg10[%swap3A_166, %swap3A_167], %unpack3A_164 {strides = array<i32>} : memref<128x128xf32, #tpu.memory_space<vmem>>, vector<16xf32>,
          %swap3A_169 = arith.index_cast %add3A_127 : i32 to index
          %swap3A_170 = arith.constant 112 : index
          %swap3A_171 = tpu.vector_load %arg10[%swap3A_169, %swap3A_170] {strides = array<i32>} : memref<128x128xf32, #tpu.memory_space<vmem>>, vector<16xf32>,
          tpu.vector_store %arg10[%swap3A_169, %swap3A_170], %unpack3A_165 {strides = array<i32>} : memref<128x128xf32, #tpu.memory_space<vmem>>, vector<16xf32>,
        }
        %scan3A_114 = arith.constant 128 : i32
        "tpu.region"() ({
          %run_scoped3A_123 = tpu.sem_alloc : memref<!tpu.dma_semaphore, #tpu.memory_space<semaphore_mem>>
          %dma_start3A_124 = arith.constant 0 : i32
          %dma_start3A_125 = tpu.memref_slice %arg7[%add3A_81, %dma_start3A_124] : memref<40x128xi32, #tpu.memory_space<vmem>> -> memref<1x128xi32, #tpu.memory_space<vmem>>
          %dma_start3A_126 = tpu.memref_squeeze %dma_start3A_125 : memref<1x128xi32, #tpu.memory_space<vmem>> -> memref<128xi32, #tpu.memory_space<vmem>>
          %dma_start3A_127 = arith.constant 0 : i32
          %dma_start3A_128 = arith.constant 0 : i32
          %dma_start3A_129 = tpu.memref_slice %arg11[%dma_start3A_127, %dma_start3A_128] : memref<10008x128xf32, #tpu.memory_space<vmem_shared>> -> memref<10008x128xf32, #tpu.memory_space<vmem_shared>>
          tpu.enqueue_indirect_dma source(%arg10 : memref<128x128xf32, #tpu.memory_space<vmem>>) target(%dma_start3A_129 : memref<10008x128xf32, #tpu.memory_space<vmem_shared>>) offsets(%dma_start3A_126 : memref<128xi32, #tpu.memory_space<vmem>>) semaphore(%run_scoped3A_123 : memref<!tpu.dma_semaphore, #tpu.memory_space<semaphore_mem>>) {add = true}
          %dma_wait3A_130 = arith.constant 0 : i32
          %dma_wait3A_131 = tpu.memref_slice %arg7[%add3A_81, %dma_wait3A_130] : memref<40x128xi32, #tpu.memory_space<vmem>> -> memref<1x128xi32, #tpu.memory_space<vmem>>
          %dma_wait3A_132 = tpu.memref_squeeze %dma_wait3A_131 : memref<1x128xi32, #tpu.memory_space<vmem>> -> memref<128xi32, #tpu.memory_space<vmem>>
          %dma_wait3A_133 = arith.constant 0 : i32
          %dma_wait3A_134 = arith.constant 0 : i32
          %dma_wait3A_135 = tpu.memref_slice %arg11[%dma_wait3A_133, %dma_wait3A_134] : memref<10008x128xf32, #tpu.memory_space<vmem_shared>> -> memref<10008x128xf32, #tpu.memory_space<vmem_shared>>
          tpu.wait_indirect_dma semaphore(%run_scoped3A_123 : memref<!tpu.dma_semaphore, #tpu.memory_space<semaphore_mem>>) src(%arg10 : memref<128x128xf32, #tpu.memory_space<vmem>>) dst(%dma_wait3A_135 : memref<10008x128xf32, #tpu.memory_space<vmem_shared>>)
          tpu.yield
        }) : () -> ()
        %add3A_115 = arith.constant 1 : i32
        %add3A_116 = arith.addi %add3A_81, %add3A_115 : i32
        %dma_wait3A_117 = arith.constant 0 : i32
        %dma_wait3A_118 = tpu.memref_slice %arg6[%add3A_116, %dma_wait3A_117] : memref<40x128xi32, #tpu.memory_space<vmem>> -> memref<1x128xi32, #tpu.memory_space<vmem>>
        %dma_wait3A_119 = tpu.memref_squeeze %dma_wait3A_118 : memref<1x128xi32, #tpu.memory_space<vmem>> -> memref<128xi32, #tpu.memory_space<vmem>>
        %dma_wait3A_120 = arith.constant 0 : i32
        %dma_wait3A_121 = arith.constant 0 : i32
        %dma_wait3A_122 = tpu.memref_slice %arg2[%dma_wait3A_120, %dma_wait3A_121] : memref<20000x64xi32, #tpu.memory_space<hbm>> -> memref<20000x64xi32, #tpu.memory_space<hbm>>
        tpu.wait_indirect_dma semaphore(%arg13 : memref<!tpu.dma_semaphore, #tpu.memory_space<semaphore_mem>>) src(%dma_wait3A_122 : memref<20000x64xi32, #tpu.memory_space<hbm>>) dst(%arg9 : memref<128x64xi32, #tpu.memory_space<vmem>>)
      } else {
      }
      %not3A = arith.constant true
      %not3A_98 = arith.xori %eq3A_94, %not3A : i1
      %convert_element_type3A_99 = arith.extui %not3A_98 : i1 to i32
      %cond3A_100 = arith.constant 0 : i32
      %cond3A_101 = arith.cmpi ne, %convert_element_type3A_99, %cond3A_100 : i32
      scf.if %cond3A_101 {
        %add3A_102 = arith.constant 1 : i32
        %add3A_103 = arith.addi %add3A_81, %add3A_102 : i32
        %dma_start3A_104 = arith.constant 0 : i32
        %dma_start3A_105 = tpu.memref_slice %arg6[%add3A_103, %dma_start3A_104] : memref<40x128xi32, #tpu.memory_space<vmem>> -> memref<1x128xi32, #tpu.memory_space<vmem>>
        %dma_start3A_106 = tpu.memref_squeeze %dma_start3A_105 : memref<1x128xi32, #tpu.memory_space<vmem>> -> memref<128xi32, #tpu.memory_space<vmem>>
        %dma_start3A_107 = arith.constant 0 : i32
        %dma_start3A_108 = arith.constant 0 : i32
        %dma_start3A_109 = tpu.memref_slice %arg2[%dma_start3A_107, %dma_start3A_108] : memref<20000x64xi32, #tpu.memory_space<hbm>> -> memref<20000x64xi32, #tpu.memory_space<hbm>>
        tpu.enqueue_indirect_dma source(%dma_start3A_109 : memref<20000x64xi32, #tpu.memory_space<hbm>>) target(%arg8 : memref<128x64xi32, #tpu.memory_space<vmem>>) offsets(%dma_start3A_106 : memref<128xi32, #tpu.memory_space<vmem>>) semaphore(%arg12 : memref<!tpu.dma_semaphore, #tpu.memory_space<semaphore_mem>>)
        %scan3A_110 = arith.constant 0 : i32
        %scan3A_111 = arith.constant 128 : i32
        %scan3A_112 = arith.addi %scan3A_110, %scan3A_111 : i32
        %scan3A_113 = arith.constant 1 : i32
        scf.for %scan3A_123 = %scan3A_110 to %scan3A_112 step %scan3A_113  : i32 {
          %mul3A_124 = arith.constant 1 : i32
          %mul3A_125 = arith.muli %scan3A_123, %mul3A_124 : i32
          %add3A_126 = arith.constant 0 : i32
          %add3A_127 = arith.addi %add3A_126, %mul3A_125 : i32
          %get3A = arith.index_cast %add3A_127 : i32 to index
          %get3A_128 = arith.constant 0 : index
          %get3A_129 = tpu.vector_load %arg9[%get3A, %get3A_128] {strides = array<i32>} : memref<128x64xi32, #tpu.memory_space<vmem>>, vector<16xi32>,
          %bitcast3A = vector.bitcast %get3A_129 : vector<16xi32> to vector<32xbf16>
          %unpack3A = tpu.unpack_subelements %bitcast3A, 0 {pack_format = #tpu.pack_format<interleaved>} : vector<32xbf16> -> vector<16xf32>
          %unpack3A_130 = tpu.unpack_subelements %bitcast3A, 1 {pack_format = #tpu.pack_format<interleaved>} : vector<32xbf16> -> vector<16xf32>
          %swap3A = arith.index_cast %add3A_127 : i32 to index
          %swap3A_131 = arith.constant 0 : index
          %swap3A_132 = tpu.vector_load %arg10[%swap3A, %swap3A_131] {strides = array<i32>} : memref<128x128xf32, #tpu.memory_space<vmem>>, vector<16xf32>,
          tpu.vector_store %arg10[%swap3A, %swap3A_131], %unpack3A {strides = array<i32>} : memref<128x128xf32, #tpu.memory_space<vmem>>, vector<16xf32>,
          %swap3A_133 = arith.index_cast %add3A_127 : i32 to index
          %swap3A_134 = arith.constant 64 : index
          %swap3A_135 = tpu.vector_load %arg10[%swap3A_133, %swap3A_134] {strides = array<i32>} : memref<128x128xf32, #tpu.memory_space<vmem>>, vector<16xf32>,
          tpu.vector_store %arg10[%swap3A_133, %swap3A_134], %unpack3A_130 {strides = array<i32>} : memref<128x128xf32, #tpu.memory_space<vmem>>, vector<16xf32>,
          %get3A_136 = arith.index_cast %add3A_127 : i32 to index
          %get3A_137 = arith.constant 16 : index
          %get3A_138 = tpu.vector_load %arg9[%get3A_136, %get3A_137] {strides = array<i32>} : memref<128x64xi32, #tpu.memory_space<vmem>>, vector<16xi32>,
          %bitcast3A_139 = vector.bitcast %get3A_138 : vector<16xi32> to vector<32xbf16>
          %unpack3A_140 = tpu.unpack_subelements %bitcast3A_139, 0 {pack_format = #tpu.pack_format<interleaved>} : vector<32xbf16> -> vector<16xf32>
          %unpack3A_141 = tpu.unpack_subelements %bitcast3A_139, 1 {pack_format = #tpu.pack_format<interleaved>} : vector<32xbf16> -> vector<16xf32>
          %swap3A_142 = arith.index_cast %add3A_127 : i32 to index
          %swap3A_143 = arith.constant 16 : index
          %swap3A_144 = tpu.vector_load %arg10[%swap3A_142, %swap3A_143] {strides = array<i32>} : memref<128x128xf32, #tpu.memory_space<vmem>>, vector<16xf32>,
          tpu.vector_store %arg10[%swap3A_142, %swap3A_143], %unpack3A_140 {strides = array<i32>} : memref<128x128xf32, #tpu.memory_space<vmem>>, vector<16xf32>,
          %swap3A_145 = arith.index_cast %add3A_127 : i32 to index
          %swap3A_146 = arith.constant 80 : index
          %swap3A_147 = tpu.vector_load %arg10[%swap3A_145, %swap3A_146] {strides = array<i32>} : memref<128x128xf32, #tpu.memory_space<vmem>>, vector<16xf32>,
          tpu.vector_store %arg10[%swap3A_145, %swap3A_146], %unpack3A_141 {strides = array<i32>} : memref<128x128xf32, #tpu.memory_space<vmem>>, vector<16xf32>,
          %get3A_148 = arith.index_cast %add3A_127 : i32 to index
          %get3A_149 = arith.constant 32 : index
          %get3A_150 = tpu.vector_load %arg9[%get3A_148, %get3A_149] {strides = array<i32>} : memref<128x64xi32, #tpu.memory_space<vmem>>, vector<16xi32>,
          %bitcast3A_151 = vector.bitcast %get3A_150 : vector<16xi32> to vector<32xbf16>
          %unpack3A_152 = tpu.unpack_subelements %bitcast3A_151, 0 {pack_format = #tpu.pack_format<interleaved>} : vector<32xbf16> -> vector<16xf32>
          %unpack3A_153 = tpu.unpack_subelements %bitcast3A_151, 1 {pack_format = #tpu.pack_format<interleaved>} : vector<32xbf16> -> vector<16xf32>
          %swap3A_154 = arith.index_cast %add3A_127 : i32 to index
          %swap3A_155 = arith.constant 32 : index
          %swap3A_156 = tpu.vector_load %arg10[%swap3A_154, %swap3A_155] {strides = array<i32>} : memref<128x128xf32, #tpu.memory_space<vmem>>, vector<16xf32>,
          tpu.vector_store %arg10[%swap3A_154, %swap3A_155], %unpack3A_152 {strides = array<i32>} : memref<128x128xf32, #tpu.memory_space<vmem>>, vector<16xf32>,
          %swap3A_157 = arith.index_cast %add3A_127 : i32 to index
          %swap3A_158 = arith.constant 96 : index
          %swap3A_159 = tpu.vector_load %arg10[%swap3A_157, %swap3A_158] {strides = array<i32>} : memref<128x128xf32, #tpu.memory_space<vmem>>, vector<16xf32>,
          tpu.vector_store %arg10[%swap3A_157, %swap3A_158], %unpack3A_153 {strides = array<i32>} : memref<128x128xf32, #tpu.memory_space<vmem>>, vector<16xf32>,
          %get3A_160 = arith.index_cast %add3A_127 : i32 to index
          %get3A_161 = arith.constant 48 : index
          %get3A_162 = tpu.vector_load %arg9[%get3A_160, %get3A_161] {strides = array<i32>} : memref<128x64xi32, #tpu.memory_space<vmem>>, vector<16xi32>,
          %bitcast3A_163 = vector.bitcast %get3A_162 : vector<16xi32> to vector<32xbf16>
          %unpack3A_164 = tpu.unpack_subelements %bitcast3A_163, 0 {pack_format = #tpu.pack_format<interleaved>} : vector<32xbf16> -> vector<16xf32>
          %unpack3A_165 = tpu.unpack_subelements %bitcast3A_163, 1 {pack_format = #tpu.pack_format<interleaved>} : vector<32xbf16> -> vector<16xf32>
          %swap3A_166 = arith.index_cast %add3A_127 : i32 to index
          %swap3A_167 = arith.constant 48 : index
          %swap3A_168 = tpu.vector_load %arg10[%swap3A_166, %swap3A_167] {strides = array<i32>} : memref<128x128xf32, #tpu.memory_space<vmem>>, vector<16xf32>,
          tpu.vector_store %arg10[%swap3A_166, %swap3A_167], %unpack3A_164 {strides = array<i32>} : memref<128x128xf32, #tpu.memory_space<vmem>>, vector<16xf32>,
          %swap3A_169 = arith.index_cast %add3A_127 : i32 to index
          %swap3A_170 = arith.constant 112 : index
          %swap3A_171 = tpu.vector_load %arg10[%swap3A_169, %swap3A_170] {strides = array<i32>} : memref<128x128xf32, #tpu.memory_space<vmem>>, vector<16xf32>,
          tpu.vector_store %arg10[%swap3A_169, %swap3A_170], %unpack3A_165 {strides = array<i32>} : memref<128x128xf32, #tpu.memory_space<vmem>>, vector<16xf32>,
        }
        %scan3A_114 = arith.constant 128 : i32
        "tpu.region"() ({
          %run_scoped3A_123 = tpu.sem_alloc : memref<!tpu.dma_semaphore, #tpu.memory_space<semaphore_mem>>
          %dma_start3A_124 = arith.constant 0 : i32
          %dma_start3A_125 = tpu.memref_slice %arg7[%add3A_81, %dma_start3A_124] : memref<40x128xi32, #tpu.memory_space<vmem>> -> memref<1x128xi32, #tpu.memory_space<vmem>>
          %dma_start3A_126 = tpu.memref_squeeze %dma_start3A_125 : memref<1x128xi32, #tpu.memory_space<vmem>> -> memref<128xi32, #tpu.memory_space<vmem>>
          %dma_start3A_127 = arith.constant 0 : i32
          %dma_start3A_128 = arith.constant 0 : i32
          %dma_start3A_129 = tpu.memref_slice %arg11[%dma_start3A_127, %dma_start3A_128] : memref<10008x128xf32, #tpu.memory_space<vmem_shared>> -> memref<10008x128xf32, #tpu.memory_space<vmem_shared>>
          tpu.enqueue_indirect_dma source(%arg10 : memref<128x128xf32, #tpu.memory_space<vmem>>) target(%dma_start3A_129 : memref<10008x128xf32, #tpu.memory_space<vmem_shared>>) offsets(%dma_start3A_126 : memref<128xi32, #tpu.memory_space<vmem>>) semaphore(%run_scoped3A_123 : memref<!tpu.dma_semaphore, #tpu.memory_space<semaphore_mem>>) {add = true}
          %dma_wait3A_130 = arith.constant 0 : i32
          %dma_wait3A_131 = tpu.memref_slice %arg7[%add3A_81, %dma_wait3A_130] : memref<40x128xi32, #tpu.memory_space<vmem>> -> memref<1x128xi32, #tpu.memory_space<vmem>>
          %dma_wait3A_132 = tpu.memref_squeeze %dma_wait3A_131 : memref<1x128xi32, #tpu.memory_space<vmem>> -> memref<128xi32, #tpu.memory_space<vmem>>
          %dma_wait3A_133 = arith.constant 0 : i32
          %dma_wait3A_134 = arith.constant 0 : i32
          %dma_wait3A_135 = tpu.memref_slice %arg11[%dma_wait3A_133, %dma_wait3A_134] : memref<10008x128xf32, #tpu.memory_space<vmem_shared>> -> memref<10008x128xf32, #tpu.memory_space<vmem_shared>>
          tpu.wait_indirect_dma semaphore(%run_scoped3A_123 : memref<!tpu.dma_semaphore, #tpu.memory_space<semaphore_mem>>) src(%arg10 : memref<128x128xf32, #tpu.memory_space<vmem>>) dst(%dma_wait3A_135 : memref<10008x128xf32, #tpu.memory_space<vmem_shared>>)
          tpu.yield
        }) : () -> ()
        %add3A_115 = arith.constant 1 : i32
        %add3A_116 = arith.addi %add3A_81, %add3A_115 : i32
        %dma_wait3A_117 = arith.constant 0 : i32
        %dma_wait3A_118 = tpu.memref_slice %arg6[%add3A_116, %dma_wait3A_117] : memref<40x128xi32, #tpu.memory_space<vmem>> -> memref<1x128xi32, #tpu.memory_space<vmem>>
        %dma_wait3A_119 = tpu.memref_squeeze %dma_wait3A_118 : memref<1x128xi32, #tpu.memory_space<vmem>> -> memref<128xi32, #tpu.memory_space<vmem>>
        %dma_wait3A_120 = arith.constant 0 : i32
        %dma_wait3A_121 = arith.constant 0 : i32
        %dma_wait3A_122 = tpu.memref_slice %arg2[%dma_wait3A_120, %dma_wait3A_121] : memref<20000x64xi32, #tpu.memory_space<hbm>> -> memref<20000x64xi32, #tpu.memory_space<hbm>>
        tpu.wait_indirect_dma semaphore(%arg12 : memref<!tpu.dma_semaphore, #tpu.memory_space<semaphore_mem>>) src(%dma_wait3A_122 : memref<20000x64xi32, #tpu.memory_space<hbm>>) dst(%arg8 : memref<128x64xi32, #tpu.memory_space<vmem>>)
      } else {
      }
    }
    %scan3A_59 = arith.constant 39 : i32
    %scan3A_60 = arith.constant 0 : i32
    %scan3A_61 = arith.constant 128 : i32
    %scan3A_62 = arith.addi %scan3A_60, %scan3A_61 : i32
    %scan3A_63 = arith.constant 1 : i32
    scf.for %scan3A_77 = %scan3A_60 to %scan3A_62 step %scan3A_63  : i32 {
      %mul3A_78 = arith.constant 1 : i32
      %mul3A_79 = arith.muli %scan3A_77, %mul3A_78 : i32
      %add3A_80 = arith.constant 0 : i32
      %add3A_81 = arith.addi %add3A_80, %mul3A_79 : i32
      %get3A = arith.index_cast %add3A_81 : i32 to index
      %get3A_82 = arith.constant 0 : index
      %get3A_83 = tpu.vector_load %arg9[%get3A, %get3A_82] {strides = array<i32>} : memref<128x64xi32, #tpu.memory_space<vmem>>, vector<16xi32>,
      %bitcast3A = vector.bitcast %get3A_83 : vector<16xi32> to vector<32xbf16>
      %unpack3A = tpu.unpack_subelements %bitcast3A, 0 {pack_format = #tpu.pack_format<interleaved>} : vector<32xbf16> -> vector<16xf32>
      %unpack3A_84 = tpu.unpack_subelements %bitcast3A, 1 {pack_format = #tpu.pack_format<interleaved>} : vector<32xbf16> -> vector<16xf32>
      %swap3A = arith.index_cast %add3A_81 : i32 to index
      %swap3A_85 = arith.constant 0 : index
      %swap3A_86 = tpu.vector_load %arg10[%swap3A, %swap3A_85] {strides = array<i32>} : memref<128x128xf32, #tpu.memory_space<vmem>>, vector<16xf32>,
      tpu.vector_store %arg10[%swap3A, %swap3A_85], %unpack3A {strides = array<i32>} : memref<128x128xf32, #tpu.memory_space<vmem>>, vector<16xf32>,
      %swap3A_87 = arith.index_cast %add3A_81 : i32 to index
      %swap3A_88 = arith.constant 64 : index
      %swap3A_89 = tpu.vector_load %arg10[%swap3A_87, %swap3A_88] {strides = array<i32>} : memref<128x128xf32, #tpu.memory_space<vmem>>, vector<16xf32>,
      tpu.vector_store %arg10[%swap3A_87, %swap3A_88], %unpack3A_84 {strides = array<i32>} : memref<128x128xf32, #tpu.memory_space<vmem>>, vector<16xf32>,
      %get3A_90 = arith.index_cast %add3A_81 : i32 to index
      %get3A_91 = arith.constant 16 : index
      %get3A_92 = tpu.vector_load %arg9[%get3A_90, %get3A_91] {strides = array<i32>} : memref<128x64xi32, #tpu.memory_space<vmem>>, vector<16xi32>,
      %bitcast3A_93 = vector.bitcast %get3A_92 : vector<16xi32> to vector<32xbf16>
      %unpack3A_94 = tpu.unpack_subelements %bitcast3A_93, 0 {pack_format = #tpu.pack_format<interleaved>} : vector<32xbf16> -> vector<16xf32>
      %unpack3A_95 = tpu.unpack_subelements %bitcast3A_93, 1 {pack_format = #tpu.pack_format<interleaved>} : vector<32xbf16> -> vector<16xf32>
      %swap3A_96 = arith.index_cast %add3A_81 : i32 to index
      %swap3A_97 = arith.constant 16 : index
      %swap3A_98 = tpu.vector_load %arg10[%swap3A_96, %swap3A_97] {strides = array<i32>} : memref<128x128xf32, #tpu.memory_space<vmem>>, vector<16xf32>,
      tpu.vector_store %arg10[%swap3A_96, %swap3A_97], %unpack3A_94 {strides = array<i32>} : memref<128x128xf32, #tpu.memory_space<vmem>>, vector<16xf32>,
      %swap3A_99 = arith.index_cast %add3A_81 : i32 to index
      %swap3A_100 = arith.constant 80 : index
      %swap3A_101 = tpu.vector_load %arg10[%swap3A_99, %swap3A_100] {strides = array<i32>} : memref<128x128xf32, #tpu.memory_space<vmem>>, vector<16xf32>,
      tpu.vector_store %arg10[%swap3A_99, %swap3A_100], %unpack3A_95 {strides = array<i32>} : memref<128x128xf32, #tpu.memory_space<vmem>>, vector<16xf32>,
      %get3A_102 = arith.index_cast %add3A_81 : i32 to index
      %get3A_103 = arith.constant 32 : index
      %get3A_104 = tpu.vector_load %arg9[%get3A_102, %get3A_103] {strides = array<i32>} : memref<128x64xi32, #tpu.memory_space<vmem>>, vector<16xi32>,
      %bitcast3A_105 = vector.bitcast %get3A_104 : vector<16xi32> to vector<32xbf16>
      %unpack3A_106 = tpu.unpack_subelements %bitcast3A_105, 0 {pack_format = #tpu.pack_format<interleaved>} : vector<32xbf16> -> vector<16xf32>
      %unpack3A_107 = tpu.unpack_subelements %bitcast3A_105, 1 {pack_format = #tpu.pack_format<interleaved>} : vector<32xbf16> -> vector<16xf32>
      %swap3A_108 = arith.index_cast %add3A_81 : i32 to index
      %swap3A_109 = arith.constant 32 : index
      %swap3A_110 = tpu.vector_load %arg10[%swap3A_108, %swap3A_109] {strides = array<i32>} : memref<128x128xf32, #tpu.memory_space<vmem>>, vector<16xf32>,
      tpu.vector_store %arg10[%swap3A_108, %swap3A_109], %unpack3A_106 {strides = array<i32>} : memref<128x128xf32, #tpu.memory_space<vmem>>, vector<16xf32>,
      %swap3A_111 = arith.index_cast %add3A_81 : i32 to index
      %swap3A_112 = arith.constant 96 : index
      %swap3A_113 = tpu.vector_load %arg10[%swap3A_111, %swap3A_112] {strides = array<i32>} : memref<128x128xf32, #tpu.memory_space<vmem>>, vector<16xf32>,
      tpu.vector_store %arg10[%swap3A_111, %swap3A_112], %unpack3A_107 {strides = array<i32>} : memref<128x128xf32, #tpu.memory_space<vmem>>, vector<16xf32>,
      %get3A_114 = arith.index_cast %add3A_81 : i32 to index
      %get3A_115 = arith.constant 48 : index
      %get3A_116 = tpu.vector_load %arg9[%get3A_114, %get3A_115] {strides = array<i32>} : memref<128x64xi32, #tpu.memory_space<vmem>>, vector<16xi32>,
      %bitcast3A_117 = vector.bitcast %get3A_116 : vector<16xi32> to vector<32xbf16>
      %unpack3A_118 = tpu.unpack_subelements %bitcast3A_117, 0 {pack_format = #tpu.pack_format<interleaved>} : vector<32xbf16> -> vector<16xf32>
      %unpack3A_119 = tpu.unpack_subelements %bitcast3A_117, 1 {pack_format = #tpu.pack_format<interleaved>} : vector<32xbf16> -> vector<16xf32>
      %swap3A_120 = arith.index_cast %add3A_81 : i32 to index
      %swap3A_121 = arith.constant 48 : index
      %swap3A_122 = tpu.vector_load %arg10[%swap3A_120, %swap3A_121] {strides = array<i32>} : memref<128x128xf32, #tpu.memory_space<vmem>>, vector<16xf32>,
      tpu.vector_store %arg10[%swap3A_120, %swap3A_121], %unpack3A_118 {strides = array<i32>} : memref<128x128xf32, #tpu.memory_space<vmem>>, vector<16xf32>,
      %swap3A_123 = arith.index_cast %add3A_81 : i32 to index
      %swap3A_124 = arith.constant 112 : index
      %swap3A_125 = tpu.vector_load %arg10[%swap3A_123, %swap3A_124] {strides = array<i32>} : memref<128x128xf32, #tpu.memory_space<vmem>>, vector<16xf32>,
      tpu.vector_store %arg10[%swap3A_123, %swap3A_124], %unpack3A_119 {strides = array<i32>} : memref<128x128xf32, #tpu.memory_space<vmem>>, vector<16xf32>,
    }
    %scan3A_64 = arith.constant 128 : i32
    %run_scoped3A_65 = arith.constant 39 : i32
    "tpu.region"() ({
      %run_scoped3A_77 = tpu.sem_alloc : memref<!tpu.dma_semaphore, #tpu.memory_space<semaphore_mem>>
      %dma_start3A_78 = arith.constant 0 : i32
      %dma_start3A_79 = tpu.memref_slice %arg7[%run_scoped3A_65, %dma_start3A_78] : memref<40x128xi32, #tpu.memory_space<vmem>> -> memref<1x128xi32, #tpu.memory_space<vmem>>
      %dma_start3A_80 = tpu.memref_squeeze %dma_start3A_79 : memref<1x128xi32, #tpu.memory_space<vmem>> -> memref<128xi32, #tpu.memory_space<vmem>>
      %dma_start3A_81 = arith.constant 0 : i32
      %dma_start3A_82 = arith.constant 0 : i32
      %dma_start3A_83 = tpu.memref_slice %arg11[%dma_start3A_81, %dma_start3A_82] : memref<10008x128xf32, #tpu.memory_space<vmem_shared>> -> memref<10008x128xf32, #tpu.memory_space<vmem_shared>>
      tpu.enqueue_indirect_dma source(%arg10 : memref<128x128xf32, #tpu.memory_space<vmem>>) target(%dma_start3A_83 : memref<10008x128xf32, #tpu.memory_space<vmem_shared>>) offsets(%dma_start3A_80 : memref<128xi32, #tpu.memory_space<vmem>>) semaphore(%run_scoped3A_77 : memref<!tpu.dma_semaphore, #tpu.memory_space<semaphore_mem>>) {add = true}
      %dma_wait3A_84 = arith.constant 0 : i32
      %dma_wait3A_85 = tpu.memref_slice %arg7[%run_scoped3A_65, %dma_wait3A_84] : memref<40x128xi32, #tpu.memory_space<vmem>> -> memref<1x128xi32, #tpu.memory_space<vmem>>
      %dma_wait3A_86 = tpu.memref_squeeze %dma_wait3A_85 : memref<1x128xi32, #tpu.memory_space<vmem>> -> memref<128xi32, #tpu.memory_space<vmem>>
      %dma_wait3A_87 = arith.constant 0 : i32
      %dma_wait3A_88 = arith.constant 0 : i32
      %dma_wait3A_89 = tpu.memref_slice %arg11[%dma_wait3A_87, %dma_wait3A_88] : memref<10008x128xf32, #tpu.memory_space<vmem_shared>> -> memref<10008x128xf32, #tpu.memory_space<vmem_shared>>
      tpu.wait_indirect_dma semaphore(%run_scoped3A_77 : memref<!tpu.dma_semaphore, #tpu.memory_space<semaphore_mem>>) src(%arg10 : memref<128x128xf32, #tpu.memory_space<vmem>>) dst(%dma_wait3A_89 : memref<10008x128xf32, #tpu.memory_space<vmem_shared>>)
      tpu.yield
    }) : () -> ()
    %barrier3A_66 = arith.constant 0 : index
    tpu.barrier barrier_id(%barrier3A_66)
    %lt3A_67 = arith.constant 15 : i32
    %lt3A_68 = arith.cmpi slt, %arg1, %lt3A_67 : i32
    %convert_element_type3A_69 = arith.extui %lt3A_68 : i1 to i32
    %cond3A_70 = arith.constant 0 : i32
    %cond3A_71 = arith.cmpi ne, %convert_element_type3A_69, %cond3A_70 : i32
    scf.if %cond3A_71 {
      "tpu.region"() ({
        %run_scoped3A_77 = tpu.sem_alloc : memref<!tpu.dma_semaphore, #tpu.memory_space<semaphore_mem>>
        %dma_start3A_78 = arith.constant 0 : i32
        %dma_start3A_79 = tpu.memref_slice %arg5[%multiple_of3A_5, %dma_start3A_78] : memref<20000x128xf32, #tpu.memory_space<hbm>> -> memref<640x128xf32, #tpu.memory_space<hbm>>
        %dma_start3A_80 = arith.constant 0 : i32
        %dma_start3A_81 = tpu.memref_slice %arg11[%multiple_of3A, %dma_start3A_80] : memref<10008x128xf32, #tpu.memory_space<vmem_shared>> -> memref<640x128xf32, #tpu.memory_space<vmem_shared>>
        tpu.enqueue_dma source(%dma_start3A_81 : memref<640x128xf32, #tpu.memory_space<vmem_shared>>) target(%dma_start3A_79 : memref<640x128xf32, #tpu.memory_space<hbm>>) target_semaphore(%run_scoped3A_77 : memref<!tpu.dma_semaphore, #tpu.memory_space<semaphore_mem>>)
        %dma_wait3A_82 = arith.constant 0 : i32
        %dma_wait3A_83 = tpu.memref_slice %arg5[%multiple_of3A_5, %dma_wait3A_82] : memref<20000x128xf32, #tpu.memory_space<hbm>> -> memref<640x128xf32, #tpu.memory_space<hbm>>
        %dma_wait3A_84 = arith.constant 0 : i32
        %dma_wait3A_85 = tpu.memref_slice %arg11[%multiple_of3A, %dma_wait3A_84] : memref<10008x128xf32, #tpu.memory_space<vmem_shared>> -> memref<640x128xf32, #tpu.memory_space<vmem_shared>>
        tpu.wait_dma2 semaphore(%run_scoped3A_77 : memref<!tpu.dma_semaphore, #tpu.memory_space<semaphore_mem>>) src(%dma_wait3A_85 : memref<640x128xf32, #tpu.memory_space<vmem_shared>>) dst(%dma_wait3A_83 : memref<640x128xf32, #tpu.memory_space<hbm>>)
        tpu.yield
      }) : () -> ()
    } else {
    }
    %eq3A_72 = arith.constant 15 : i32
    %eq3A_73 = arith.cmpi eq, %arg1, %eq3A_72 : i32
    %convert_element_type3A_74 = arith.extui %eq3A_73 : i1 to i32
    %cond3A_75 = arith.constant 0 : i32
    %cond3A_76 = arith.cmpi ne, %convert_element_type3A_74, %cond3A_75 : i32
    scf.if %cond3A_76 {
      %mul3A_77 = arith.constant 10000 : i32
      %mul3A_78 = arith.muli %arg0, %mul3A_77 : i32
      %add3A_79 = arith.constant 9600 : i32
      %add3A_80 = arith.addi %mul3A_78, %add3A_79 : i32
      "tpu.region"() ({
        %run_scoped3A_81 = tpu.sem_alloc : memref<!tpu.dma_semaphore, #tpu.memory_space<semaphore_mem>>
        %dma_start3A_82 = arith.constant 0 : i32
        %dma_start3A_83 = tpu.memref_slice %arg5[%add3A_80, %dma_start3A_82] : memref<20000x128xf32, #tpu.memory_space<hbm>> -> memref<400x128xf32, #tpu.memory_space<hbm>>
        %dma_start3A_84 = arith.constant 9600 : i32
        %dma_start3A_85 = arith.constant 0 : i32
        %dma_start3A_86 = tpu.memref_slice %arg11[%dma_start3A_84, %dma_start3A_85] : memref<10008x128xf32, #tpu.memory_space<vmem_shared>> -> memref<400x128xf32, #tpu.memory_space<vmem_shared>>
        tpu.enqueue_dma source(%dma_start3A_86 : memref<400x128xf32, #tpu.memory_space<vmem_shared>>) target(%dma_start3A_83 : memref<400x128xf32, #tpu.memory_space<hbm>>) target_semaphore(%run_scoped3A_81 : memref<!tpu.dma_semaphore, #tpu.memory_space<semaphore_mem>>)
        %dma_wait3A_87 = arith.constant 0 : i32
        %dma_wait3A_88 = tpu.memref_slice %arg5[%add3A_80, %dma_wait3A_87] : memref<20000x128xf32, #tpu.memory_space<hbm>> -> memref<400x128xf32, #tpu.memory_space<hbm>>
        %dma_wait3A_89 = arith.constant 9600 : i32
        %dma_wait3A_90 = arith.constant 0 : i32
        %dma_wait3A_91 = tpu.memref_slice %arg11[%dma_wait3A_89, %dma_wait3A_90] : memref<10008x128xf32, #tpu.memory_space<vmem_shared>> -> memref<400x128xf32, #tpu.memory_space<vmem_shared>>
        tpu.wait_dma2 semaphore(%run_scoped3A_81 : memref<!tpu.dma_semaphore, #tpu.memory_space<semaphore_mem>>) src(%dma_wait3A_91 : memref<400x128xf32, #tpu.memory_space<vmem_shared>>) dst(%dma_wait3A_88 : memref<400x128xf32, #tpu.memory_space<hbm>>)
        tpu.yield
      }) : () -> ()
    } else {
    }
    return
  }
}

module attributes {stable_mosaic.version = 14 : i64} {
  func.func @body(%arg0: i32, %arg1: memref<1000x256xf32, #tpu.memory_space<vmem>>, %arg2: memref<256x256xf32, #tpu.memory_space<vmem>>, %arg3: memref<1000x256xf32, #tpu.memory_space<vmem>>) attributes {dimension_semantics = [#tpu.dimension_semantics<arbitrary>], iteration_bounds = array<i64: 10>, scalar_prefetch = 0 : i64, scratch_operands = 0 : i64, tpu.core_type = #tpu.core_type<tc>, window_params = [{transform_indices = @transform_0, window_bounds = array<i64: 1000, 256>}, {pipeline_mode = #tpu.pipeline_mode<synchronous>, transform_indices = @transform_1, window_bounds = array<i64: 256, 256>}, {transform_indices = @transform_2, window_bounds = array<i64: 1000, 256>}]} {
    %get3A = arith.constant 0 : index
    %get3A_0 = arith.constant 0 : index
    %get3A_1 = vector.load %arg1[%get3A, %get3A_0] : memref<1000x256xf32, #tpu.memory_space<vmem>>, vector<1000x256xf32>
    %get3A_2 = arith.constant 0 : index
    %get3A_3 = arith.constant 0 : index
    %get3A_4 = vector.load %arg2[%get3A_2, %get3A_3] : memref<256x256xf32, #tpu.memory_space<vmem>>, vector<256x256xf32>
    %dot_general3A = arith.constant dense<0.000000e+00> : vector<1000x256xf32>
    %dot_general3A_5 = tpu.matmul %get3A_1, %get3A_4, %dot_general3A {dimension_numbers = #tpu.dot_dimension_numbers<[1], [0], [0], [1], [0, 0, 1, 1], [], []>, transpose_lhs_hint = false} : vector<1000x256xf32>, vector<256x256xf32>, vector<1000x256xf32> -> vector<1000x256xf32>
    %swap3A = arith.constant 0 : index
    %swap3A_6 = arith.constant 0 : index
    %swap3A_7 = vector.load %arg3[%swap3A, %swap3A_6] : memref<1000x256xf32, #tpu.memory_space<vmem>>, vector<1000x256xf32>
    tpu.vector_store %arg3[%swap3A, %swap3A_6], %dot_general3A_5 {strides = array<i32>} : memref<1000x256xf32, #tpu.memory_space<vmem>>, vector<1000x256xf32>,
    return
  }
  func.func @transform_0(%arg0: i32) -> (i32, i32) {
    %c0_i32 = arith.constant 0 : i32
    %c0_i32_0 = arith.constant 0 : i32
    return %arg0, %c0_i32 : i32, i32
  }
  func.func @transform_1(%arg0: i32) -> (i32, i32) {
    %c0_i32 = arith.constant 0 : i32
    %c0_i32_0 = arith.constant 0 : i32
    %c0_i32_1 = arith.constant 0 : i32
    return %c0_i32, %c0_i32_0 : i32, i32
  }
  func.func @transform_2(%arg0: i32) -> (i32, i32) {
    %c0_i32 = arith.constant 0 : i32
    %c0_i32_0 = arith.constant 0 : i32
    return %arg0, %c0_i32 : i32, i32
  }
}

module attributes {stable_mosaic.version = 14 : i64} {
  func.func @body(%arg0: i32, %arg1: memref<2x1000x128xf32, #tpu.memory_space<vmem>>, %arg2: memref<1000x256xf32, #tpu.memory_space<vmem>>, %arg3: memref<2x1000x64xi32, #tpu.memory_space<vmem>>) attributes {dimension_semantics = [#tpu.dimension_semantics<arbitrary>], iteration_bounds = array<i64: 10>, scalar_prefetch = 0 : i64, scratch_operands = 0 : i64, tpu.core_type = #tpu.core_type<tc>, window_params = [{transform_indices = @transform_0, window_bounds = array<i64: 2, 1000, 128>}, {transform_indices = @transform_1, window_bounds = array<i64: 1000, 256>}, {transform_indices = @transform_2, window_bounds = array<i64: 2, 1000, 64>}]} {
    %get3A = arith.constant 0 : index
    %get3A_0 = arith.constant 0 : index
    %get3A_1 = arith.constant 0 : index
    %get3A_2 = vector.load %arg1[%get3A, %get3A_0, %get3A_1] : memref<2x1000x128xf32, #tpu.memory_space<vmem>>, vector<1x1000x1xf32>
    %get3A_3 = vector.shape_cast %get3A_2 : vector<1x1000x1xf32> to vector<1000x1xf32>
    %add3A = arith.constant 1.000000e+00 : f32
    %add3A_4 = vector.broadcast %add3A : f32 to vector<1000x1xf32>
    %add3A_5 = arith.addf %add3A_4, %get3A_3 : vector<1000x1xf32>
    %get3A_6 = arith.constant 1 : index
    %get3A_7 = arith.constant 0 : index
    %get3A_8 = arith.constant 0 : index
    %get3A_9 = vector.load %arg1[%get3A_6, %get3A_7, %get3A_8] : memref<2x1000x128xf32, #tpu.memory_space<vmem>>, vector<1x1000x1xf32>
    %get3A_10 = vector.shape_cast %get3A_9 : vector<1x1000x1xf32> to vector<1000x1xf32>
    %add3A_11 = arith.addf %add3A_5, %get3A_10 : vector<1000x1xf32>
    %rsqrt3A = math.rsqrt %add3A_11 : vector<1000x1xf32>
    %get3A_12 = arith.constant 0 : index
    %get3A_13 = arith.constant 0 : index
    %get3A_14 = vector.load %arg2[%get3A_12, %get3A_13] : memref<1000x256xf32, #tpu.memory_space<vmem>>, vector<1000x256xf32>
    %mul3A = vector.broadcast %rsqrt3A : vector<1000x1xf32> to vector<1000x256xf32>
    %mul3A_15 = arith.mulf %get3A_14, %mul3A : vector<1000x256xf32>
    %slice3A = vector.extract_strided_slice %mul3A_15 {offsets = [0, 0], sizes = [1000, 128], strides = [1, 1]} : vector<1000x256xf32> to vector<1000x128xf32>
    %slice3A_16 = vector.extract_strided_slice %slice3A {offsets = [0, 0], sizes = [1000, 64], strides = [1, 1]} : vector<1000x128xf32> to vector<1000x64xf32>
    %convert_element_type3A = arith.truncf %slice3A_16 : vector<1000x64xf32> to vector<1000x64xbf16>
    %bitcast_convert_type3A = tpu.bitcast %convert_element_type3A : vector<1000x64xbf16> -> vector<1000x64xi16>
    %convert_element_type3A_17 = arith.extui %bitcast_convert_type3A : vector<1000x64xi16> to vector<1000x64xi32>
    %slice3A_18 = vector.extract_strided_slice %slice3A {offsets = [0, 64], sizes = [1000, 64], strides = [1, 1]} : vector<1000x128xf32> to vector<1000x64xf32>
    %convert_element_type3A_19 = arith.truncf %slice3A_18 : vector<1000x64xf32> to vector<1000x64xbf16>
    %bitcast_convert_type3A_20 = tpu.bitcast %convert_element_type3A_19 : vector<1000x64xbf16> -> vector<1000x64xi16>
    %convert_element_type3A_21 = arith.extui %bitcast_convert_type3A_20 : vector<1000x64xi16> to vector<1000x64xi32>
    %shift_left3A = arith.constant 16 : i32
    %shift_left3A_22 = vector.broadcast %shift_left3A : i32 to vector<1000x64xi32>
    %shift_left3A_23 = arith.shli %convert_element_type3A_21, %shift_left3A_22 : vector<1000x64xi32>
    %or3A = arith.ori %convert_element_type3A_17, %shift_left3A_23 : vector<1000x64xi32>
    %bitcast_convert_type3A_24 = tpu.bitcast %or3A : vector<1000x64xi32> -> vector<1000x64xi32>
    %swap3A = arith.constant 0 : index
    %swap3A_25 = arith.constant 0 : index
    %swap3A_26 = arith.constant 0 : index
    %swap3A_27 = vector.load %arg3[%swap3A, %swap3A_25, %swap3A_26] : memref<2x1000x64xi32, #tpu.memory_space<vmem>>, vector<1x1000x64xi32>
    %swap3A_28 = vector.shape_cast %swap3A_27 : vector<1x1000x64xi32> to vector<1000x64xi32>
    %swap3A_29 = vector.shape_cast %bitcast_convert_type3A_24 : vector<1000x64xi32> to vector<1x1000x64xi32>
    tpu.vector_store %arg3[%swap3A, %swap3A_25, %swap3A_26], %swap3A_29 {strides = array<i32>} : memref<2x1000x64xi32, #tpu.memory_space<vmem>>, vector<1x1000x64xi32>,
    %slice3A_30 = vector.extract_strided_slice %mul3A_15 {offsets = [0, 128], sizes = [1000, 128], strides = [1, 1]} : vector<1000x256xf32> to vector<1000x128xf32>
    %slice3A_31 = vector.extract_strided_slice %slice3A_30 {offsets = [0, 0], sizes = [1000, 64], strides = [1, 1]} : vector<1000x128xf32> to vector<1000x64xf32>
    %convert_element_type3A_32 = arith.truncf %slice3A_31 : vector<1000x64xf32> to vector<1000x64xbf16>
    %bitcast_convert_type3A_33 = tpu.bitcast %convert_element_type3A_32 : vector<1000x64xbf16> -> vector<1000x64xi16>
    %convert_element_type3A_34 = arith.extui %bitcast_convert_type3A_33 : vector<1000x64xi16> to vector<1000x64xi32>
    %slice3A_35 = vector.extract_strided_slice %slice3A_30 {offsets = [0, 64], sizes = [1000, 64], strides = [1, 1]} : vector<1000x128xf32> to vector<1000x64xf32>
    %convert_element_type3A_36 = arith.truncf %slice3A_35 : vector<1000x64xf32> to vector<1000x64xbf16>
    %bitcast_convert_type3A_37 = tpu.bitcast %convert_element_type3A_36 : vector<1000x64xbf16> -> vector<1000x64xi16>
    %convert_element_type3A_38 = arith.extui %bitcast_convert_type3A_37 : vector<1000x64xi16> to vector<1000x64xi32>
    %shift_left3A_39 = arith.constant 16 : i32
    %shift_left3A_40 = vector.broadcast %shift_left3A_39 : i32 to vector<1000x64xi32>
    %shift_left3A_41 = arith.shli %convert_element_type3A_38, %shift_left3A_40 : vector<1000x64xi32>
    %or3A_42 = arith.ori %convert_element_type3A_34, %shift_left3A_41 : vector<1000x64xi32>
    %bitcast_convert_type3A_43 = tpu.bitcast %or3A_42 : vector<1000x64xi32> -> vector<1000x64xi32>
    %swap3A_44 = arith.constant 1 : index
    %swap3A_45 = arith.constant 0 : index
    %swap3A_46 = arith.constant 0 : index
    %swap3A_47 = vector.load %arg3[%swap3A_44, %swap3A_45, %swap3A_46] : memref<2x1000x64xi32, #tpu.memory_space<vmem>>, vector<1x1000x64xi32>
    %swap3A_48 = vector.shape_cast %swap3A_47 : vector<1x1000x64xi32> to vector<1000x64xi32>
    %swap3A_49 = vector.shape_cast %bitcast_convert_type3A_43 : vector<1000x64xi32> to vector<1x1000x64xi32>
    tpu.vector_store %arg3[%swap3A_44, %swap3A_45, %swap3A_46], %swap3A_49 {strides = array<i32>} : memref<2x1000x64xi32, #tpu.memory_space<vmem>>, vector<1x1000x64xi32>,
    return
  }
  func.func @transform_0(%arg0: i32) -> (i32, i32, i32) {
    %c0_i32 = arith.constant 0 : i32
    %c0_i32_0 = arith.constant 0 : i32
    %c0_i32_1 = arith.constant 0 : i32
    return %c0_i32, %arg0, %c0_i32_0 : i32, i32, i32
  }
  func.func @transform_1(%arg0: i32) -> (i32, i32) {
    %c0_i32 = arith.constant 0 : i32
    %c0_i32_0 = arith.constant 0 : i32
    return %arg0, %c0_i32 : i32, i32
  }
  func.func @transform_2(%arg0: i32) -> (i32, i32, i32) {
    %c0_i32 = arith.constant 0 : i32
    %c0_i32_0 = arith.constant 0 : i32
    %c0_i32_1 = arith.constant 0 : i32
    return %c0_i32, %arg0, %c0_i32_0 : i32, i32, i32
  }
}

module attributes {stable_mosaic.version = 14 : i64} {
  func.func @body(%arg0: i32, %arg1: memref<1000x128xf32, #tpu.memory_space<vmem>>, %arg2: memref<1000x128xf32, #tpu.memory_space<vmem>>, %arg3: memref<2x1000x128xf32, #tpu.memory_space<vmem>>, %arg4: memref<1000x256xf32, #tpu.memory_space<vmem>>, %arg5: memref<1x256xf32, #tpu.memory_space<vmem>>, %arg6: memref<1000x256xf32, #tpu.memory_space<vmem>>) attributes {dimension_semantics = [#tpu.dimension_semantics<arbitrary>], iteration_bounds = array<i64: 10>, scalar_prefetch = 0 : i64, scratch_operands = 0 : i64, tpu.core_type = #tpu.core_type<tc>, window_params = [{transform_indices = @transform_0, window_bounds = array<i64: 1000, 128>}, {transform_indices = @transform_1, window_bounds = array<i64: 1000, 128>}, {transform_indices = @transform_2, window_bounds = array<i64: 2, 1000, 128>}, {transform_indices = @transform_3, window_bounds = array<i64: 1000, 256>}, {pipeline_mode = #tpu.pipeline_mode<synchronous>, transform_indices = @transform_4, window_bounds = array<i64: 1, 256>}, {transform_indices = @transform_5, window_bounds = array<i64: 1000, 256>}]} {
    %get3A = arith.constant 0 : index
    %get3A_0 = arith.constant 0 : index
    %get3A_1 = arith.constant 0 : index
    %get3A_2 = vector.load %arg3[%get3A, %get3A_0, %get3A_1] : memref<2x1000x128xf32, #tpu.memory_space<vmem>>, vector<1x1000x1xf32>
    %get3A_3 = vector.shape_cast %get3A_2 : vector<1x1000x1xf32> to vector<1000x1xf32>
    %add3A = arith.constant 1.000000e+00 : f32
    %add3A_4 = vector.broadcast %add3A : f32 to vector<1000x1xf32>
    %add3A_5 = arith.addf %add3A_4, %get3A_3 : vector<1000x1xf32>
    %get3A_6 = arith.constant 1 : index
    %get3A_7 = arith.constant 0 : index
    %get3A_8 = arith.constant 0 : index
    %get3A_9 = vector.load %arg3[%get3A_6, %get3A_7, %get3A_8] : memref<2x1000x128xf32, #tpu.memory_space<vmem>>, vector<1x1000x1xf32>
    %get3A_10 = vector.shape_cast %get3A_9 : vector<1x1000x1xf32> to vector<1000x1xf32>
    %add3A_11 = arith.addf %add3A_5, %get3A_10 : vector<1000x1xf32>
    %rsqrt3A = math.rsqrt %add3A_11 : vector<1000x1xf32>
    %get3A_12 = arith.constant 0 : index
    %get3A_13 = arith.constant 0 : index
    %get3A_14 = vector.load %arg1[%get3A_12, %get3A_13] : memref<1000x128xf32, #tpu.memory_space<vmem>>, vector<1000x128xf32>
    %mul3A = vector.broadcast %rsqrt3A : vector<1000x1xf32> to vector<1000x128xf32>
    %mul3A_15 = arith.mulf %get3A_14, %mul3A : vector<1000x128xf32>
    %get3A_16 = arith.constant 0 : index
    %get3A_17 = arith.constant 0 : index
    %get3A_18 = vector.load %arg2[%get3A_16, %get3A_17] : memref<1000x128xf32, #tpu.memory_space<vmem>>, vector<1000x128xf32>
    %mul3A_19 = vector.broadcast %rsqrt3A : vector<1000x1xf32> to vector<1000x128xf32>
    %mul3A_20 = arith.mulf %get3A_18, %mul3A_19 : vector<1000x128xf32>
    %concatenate3A = tpu.concatenate %mul3A_15, %mul3A_20 in 1 : vector<1000x128xf32>, vector<1000x128xf32> -> vector<1000x256xf32>
    %get3A_21 = arith.constant 0 : index
    %get3A_22 = arith.constant 0 : index
    %get3A_23 = vector.load %arg4[%get3A_21, %get3A_22] : memref<1000x256xf32, #tpu.memory_space<vmem>>, vector<1000x256xf32>
    %div3A = arith.constant 1.000000e+00 : f32
    %div3A_24 = vector.broadcast %div3A : f32 to vector<1000x1xf32>
    %div3A_25 = arith.divf %div3A_24, %add3A_11 : vector<1000x1xf32>
    %mul3A_26 = vector.broadcast %div3A_25 : vector<1000x1xf32> to vector<1000x256xf32>
    %mul3A_27 = arith.mulf %get3A_23, %mul3A_26 : vector<1000x256xf32>
    %add3A_28 = arith.addf %concatenate3A, %mul3A_27 : vector<1000x256xf32>
    %get3A_29 = arith.constant 0 : index
    %get3A_30 = arith.constant 0 : index
    %get3A_31 = vector.load %arg5[%get3A_29, %get3A_30] : memref<1x256xf32, #tpu.memory_space<vmem>>, vector<1x256xf32>
    %add3A_32 = vector.broadcast %get3A_31 : vector<1x256xf32> to vector<1000x256xf32>
    %add3A_33 = arith.addf %add3A_28, %add3A_32 : vector<1000x256xf32>
    %swap3A = arith.constant 0 : index
    %swap3A_34 = arith.constant 0 : index
    %swap3A_35 = vector.load %arg6[%swap3A, %swap3A_34] : memref<1000x256xf32, #tpu.memory_space<vmem>>, vector<1000x256xf32>
    tpu.vector_store %arg6[%swap3A, %swap3A_34], %add3A_33 {strides = array<i32>} : memref<1000x256xf32, #tpu.memory_space<vmem>>, vector<1000x256xf32>,
    return
  }
  func.func @transform_0(%arg0: i32) -> (i32, i32) {
    %c0_i32 = arith.constant 0 : i32
    %c0_i32_0 = arith.constant 0 : i32
    return %arg0, %c0_i32 : i32, i32
  }
  func.func @transform_1(%arg0: i32) -> (i32, i32) {
    %add3A = arith.constant 10 : i32
    %add3A_0 = arith.addi %add3A, %arg0 : i32
    %c0_i32 = arith.constant 0 : i32
    %c0_i32_1 = arith.constant 0 : i32
    return %add3A_0, %c0_i32 : i32, i32
  }
  func.func @transform_2(%arg0: i32) -> (i32, i32, i32) {
    %c0_i32 = arith.constant 0 : i32
    %c0_i32_0 = arith.constant 0 : i32
    %c0_i32_1 = arith.constant 0 : i32
    return %c0_i32, %arg0, %c0_i32_0 : i32, i32, i32
  }
  func.func @transform_3(%arg0: i32) -> (i32, i32) {
    %c0_i32 = arith.constant 0 : i32
    %c0_i32_0 = arith.constant 0 : i32
    return %arg0, %c0_i32 : i32, i32
  }
  func.func @transform_4(%arg0: i32) -> (i32, i32) {
    %c0_i32 = arith.constant 0 : i32
    %c0_i32_0 = arith.constant 0 : i32
    %c0_i32_1 = arith.constant 0 : i32
    return %c0_i32, %c0_i32_0 : i32, i32
  }
  func.func @transform_5(%arg0: i32) -> (i32, i32) {
    %c0_i32 = arith.constant 0 : i32
    %c0_i32_0 = arith.constant 0 : i32
    return %arg0, %c0_i32 : i32, i32
  }
}

</mosaic_0001>

<sc_bundles>
// kernel: kernel.10.cloned.1.call-start
scs
__scs_entry_jumppad:
0x0: {  	(pc) =	sbr.rel $0x88, $3  }
0x1: {  	(tag) =	ssettag $0x0;
	lr =	simm.s32 $0x1  }
0x2: {  	[smem:$0x3F9D] =	sst lr;
	_ =	strace $0xD0000000  }
0x3: {  	_ = 	snop  }
0x4: {  	_ = 	snop  }
0x5: {  	_ = 	snop  }
0x6: {  	_ = 	snop  }
0x7: {  	_ = 	snop  }
__scs_overlays_trampoline_lowered:
0x8: {  	[smem:$0x3FAC] =	sst s0  }
0x9: {  	[smem:$0x3FAD] =	sst s1  }
0xa: {  	[smem:$0x3FAE] =	sst s2  }
0xb: {  	[smem:$0x3FAF] =	sst s3  }
0xc: {  	[smem:$0x3FB0] =	sst s4  }
0xd: {  	[smem:$0x3FB1] =	sst s5  }
0xe: {  	[smem:$0x3FB2] =	sst s6  }
0xf: {  	[smem:$0x3FB3] =	sst s7  }
0x10: {  	[smem:$0x3FB4] =	sst s8  }
0x11: {  	[smem:$0x3FB5] =	sst s9;
	s0 =	simm.s32 @!p0 $0x0  }
0x12: {  	s1 =	sld [smem:$0x3F9B];
	s0 =	simm.s32 @p0 $0x1  }
0x13: {  	[smem:$0x3FB6] =	sst s0;
	s0 =	simm.s32 @!p1 $0x0  }
0x14: {  	s2 =	sld [smem:$0x3F9A];
	s0 =	simm.s32 @p1 $0x1  }
0x15: {  	[smem:$0x3FB7] =	sst s0;
	s0 =	simm.s32 @!p2 $0x0  }
0x16: {  	s3 =	sld [smem:$0x3FDB];
	s0 =	simm.s32 @p2 $0x1  }
0x17: {  	s4 =	simm.s32 $0x1BF5;
	[smem:$0x3FB9] =	sst s0  }
0x18: {  	s0 =	sld [smem:$0x3F9C];
	_ =	swait.ge [sflag:s4], $0x0  }
0x19: {  	s7 =	sld [smem:$0x3F9D]  }
0x1a: {  	s8 =	sadd.s32 $0xFFFFE003, lr  }
0x1b: {  	s9 =	sadd.s32 $0xFFFFFEF7, lr;
	s5 =	simm.s32 $0xFFFFFFFF;
	p2 =	slt.u32 s8, $0xFFFFF086  }
0x1c: {  	p1 =	slt.u32 s9, $0xF7A;
	s5 =	simm.s32 @!p2 $0x0  }
0x1d: {  	s5 =	simm.s32 @p1 $0x1;
	p0 =	seq.s32 s7, s2  }
0x1e: {  	s7 =	smul.u32 @!p0 $0xF7A, s2;
	p2 =	seq.s32 @!p0 s5, $0x0  }
0x1f: {  	s9 =	smul.u32 $0xF7A, s1;
	s8 =	simm.s32 @!p0 $0x1BF5;
	p2 =	por !p2, p0  }
0x20: {  	[sflag:s8] =	ssyncset.s32 @!p0 $0xFFFFF086;
	s6 =	sadd.s32 @!p0 s3, s7;
	s7 =	simm.s32 @!p0 $0x108  }
0x21: {  	s3 =	sadd.s32 s3, s9;
	s6 =	sadd.s32 @!p0 $0x88, s6;
	s7 =	simm.s32 @p2 $0x1082  }
0x22: {  	[simem:s7], [sflag:s8] =	dma.local @!p0 [hbm:s6], $0xF7A  }
0x23: {  	s9 =	sor.u32 $0xD0000000, s2;
	s6 =	simm.s32 $0x108;
	_ =	swait.ge @!p0 [sflag:s8], $0x0  }
0x24: {  	s3 =	sadd.s32 $0x88, s3;
	s6 =	simm.s32 @!p1 $0x1082;
	[sflag:s4] =	ssyncset.s32 $0xFFFFF086  }
0x25: {  	[simem:s6], [sflag:s4] =	dma.local [hbm:s3], $0xF7A  }
0x26: {  	[smem:$0x3F9D] =	sst s1;
	(tag) =	ssettag s2;
	_ =	strace s9  }
0x27: {  	s1 =	sld [smem:$0x3FAD]  }
0x28: {  	s2 =	sld [smem:$0x3FAE]  }
0x29: {  	s4 =	sld [smem:$0x3FB0]  }
0x2a: {  	p0 =	seq.s32 s5, $0x0;
	s5 =	sld [smem:$0x3FB1]  }
0x2b: {  	s6 =	sld [smem:$0x3FB2]  }
0x2c: {  	s7 =	sld [smem:$0x3FB3]  }
0x2d: {  	s3 =	simm.s32 $0x108;
	s8 =	sld [smem:$0x3FB4]  }
0x2e: {  	s3 =	simm.s32 @!p0 $0x1082;
	s9 =	sld [smem:$0x3FB5]  }
0x2f: {  	lr =	sadd.s32 s0, s3;
	s0 =	sld [smem:$0x3FAC]  }
0x30: {  	s3 =	sld [smem:$0x3FAF]  }
0x31: {  	[smem:$0x3FB8] =	sst s10  }
0x32: {  	s10 =	sld [smem:$0x3FB6];
	_ =	sdelay $0x3  }
0x33: {  	p0 =	seq.s32 s10, $0x1;
	s10 =	sld [smem:$0x3FB8];
	_ =	sdelay $0x3  }
0x34: {  	[smem:$0x3FB8] =	sst s10  }
0x35: {  	s10 =	sld [smem:$0x3FB7];
	_ =	sdelay $0x3  }
0x36: {  	p1 =	seq.s32 s10, $0x1;
	s10 =	sld [smem:$0x3FB8];
	_ =	sdelay $0x3  }
0x37: {  	[smem:$0x3FB8] =	sst s10  }
0x38: {  	s10 =	sld [smem:$0x3FB9]  }
0x39: {  	_ = 	snop;
	(pc) =	sbr.ind lr, $3  }
0x3a: {  	_ = 	snop  }
0x3b: {  	_ = 	snop  }
0x3c: {  	p2 =	seq.s32 s10, $0x1;
	s10 =	sld [smem:$0x3FB8]  }
0x3d: {  	_ =	shalt  }
0x3e: {  	_ =	shalt  }
0x3f: {  	_ =	shalt  }
0x40: {  	_ =	shalt  }
0x41: {  	_ =	shalt  }
0x42: {  	_ =	shalt  }
0x43: {  	_ =	shalt  }
0x44: {  	_ =	shalt  }
0x45: {  	_ =	shalt  }
0x46: {  	_ =	shalt  }
0x47: {  	_ =	shalt  }
0x48: {  	_ =	shalt  }
0x49: {  	_ =	shalt  }
0x4a: {  	_ =	shalt  }
0x4b: {  	_ =	shalt  }
0x4c: {  	_ =	shalt  }
0x4d: {  	_ =	shalt  }
0x4e: {  	_ =	shalt  }
0x4f: {  	_ =	shalt  }
0x50: {  	_ =	shalt  }
0x51: {  	_ =	shalt  }
0x52: {  	_ =	shalt  }
0x53: {  	_ =	shalt  }
0x54: {  	_ =	shalt  }
0x55: {  	_ =	shalt  }
0x56: {  	_ =	shalt  }
0x57: {  	_ =	shalt  }
0x58: {  	_ =	shalt  }
0x59: {  	_ =	shalt  }
0x5a: {  	_ =	shalt  }
0x5b: {  	_ =	shalt  }
0x5c: {  	_ =	shalt  }
0x5d: {  	_ =	shalt  }
0x5e: {  	_ =	shalt  }
0x5f: {  	_ =	shalt  }
0x60: {  	_ =	shalt  }
0x61: {  	_ =	shalt  }
0x62: {  	_ =	shalt  }
0x63: {  	_ =	shalt  }
0x64: {  	_ =	shalt  }
0x65: {  	_ =	shalt  }
0x66: {  	_ =	shalt  }
0x67: {  	_ =	shalt  }
0x68: {  	_ =	shalt  }
0x69: {  	_ =	shalt  }
0x6a: {  	_ =	shalt  }
0x6b: {  	_ =	shalt  }
0x6c: {  	_ =	shalt  }
0x6d: {  	_ =	shalt  }
0x6e: {  	_ =	shalt  }
0x6f: {  	_ =	shalt  }
0x70: {  	_ =	shalt  }
0x71: {  	_ =	shalt  }
0x72: {  	_ =	shalt  }
0x73: {  	_ =	shalt  }
0x74: {  	_ =	shalt  }
0x75: {  	_ =	shalt  }
0x76: {  	_ =	shalt  }
0x77: {  	_ =	shalt  }
0x78: {  	_ =	shalt  }
0x79: {  	_ =	shalt  }
0x7a: {  	_ =	shalt  }
0x7b: {  	_ =	shalt  }
0x7c: {  	_ =	shalt  }
0x7d: {  	_ =	shalt  }
0x7e: {  	_ =	shalt  }
0x7f: {  	_ =	shalt  }
0x80: {  	_ =	shalt  }
0x81: {  	_ =	shalt  }
0x82: {  	_ =	shalt  }
0x83: {  	_ =	shalt  }
0x84: {  	_ =	shalt  }
0x85: {  	_ =	shalt  }
0x86: {  	_ =	shalt  }
0x87: {  	_ =	shalt  }
.Lfunc_end0:
.L_simem_size_0:
called_computation.1_lowered:
.L_overlay_start_0:
0x88: {  	s2 =	sld [smem:$0x3FD9]  }
0x89: {  	s3 =	sld [smem:$0x3FFE];
	_ =	sdelay $0x1  }
0x8a: {  	s1 =	srdreg.scid  }
0x8b: {  	s0 =	sand.u32 $0x1, s1  }
0x8c: {  	s17 =	sshll.u32 s0, $0xA;
	s2 =	sadd.s32 s3, s2  }
0x8d: {  	s2 =	sadd.s32 s2, s17  }
0x8e: {  	[smem:$0x3FC4] =	sst s2  }
0x8f: {  	_ = 	snop  }
0x90: {  	s2 =	sld [smem:$0x3FD0];
	(tm) =	ssettm $0x1  }
0x91: {  	s18 =	sld [smem:$0x3FFB];
	_ =	sdelay $0x3  }
0x92: {  	_ =	strace s18  }
0x93: {  	s3 =	sld [smem:$0x3FFC];
	_ =	sdelay $0x3  }
0x94: {  	_ =	strace s3  }
0x95: {  	s3 =	sld [smem:$0x3FFD];
	_ =	sdelay $0x3  }
0x96: {  	_ =	strace s3  }
0x97: {  	_ =	strace $0x8FFFFFFF  }
0x98: {  	s19 =	sld [smem:$0x3FDB];
	_ =	sdelay $0x1  }
0x99: {  	s4 =	simm.s32 $_scs_section_size  }
0x9a: {  	s5 =	simm.s32 $_size__tile_overlayer_lowered;
	s6 =	simm.s32 $_tile_overlayer_lowered  }
0x9b: {  	s22 =	simm.s32 $0x1BFF;
	s21 =	sshll.u32 s6, $0x1;
	s3 =	sadd.s32 s4, s19  }
0x9c: {  	s7 =	simm.s32 $0x0;
	s20 =	sshll.u32 s5, $0x1;
	s5 =	sadd.s32 s21, s3  }
0x9d: {  	[timem:s7], [sflag:s22] =	dma.local [hbm:s5], s20  }
0x9e: {  	_ =	swait.ge [sflag:s22], s20  }
0x9f: {  	s4 =	ssub.s32 $0x0, s20;
	[sflag:s22] =	ssyncset.done $0x0  }
0xa0: {  	[sflag:s22] =	ssyncadd.s32 s4;
	_ =	sdelay $0x1  }
0xa1: {  	s23 =	simm.s32 $0x1B8B  }
0xa2: {  	_ =	swait.ge [sflag:s23], $0x1  }
0xa3: {  	[sflag:s23] =	ssyncset.done $0x0  }
0xa4: {  	s25 =	simm.s32 $0x1B8E;
	s24 =	sld [smem:$0x3FFE];
	[sflag:s23] =	ssyncadd.s32 $0xFFFFFFFF  }
0xa5: {  	s26 =	simm.s32 $execute0_lowered;
	[smem:$0x3FD2] =	sst s25  }
0xa6: {  	s5 =	sshll.u32 s26, $0x1;
	_ =	strace $0x80000049;
	[dreg:$0x1] =	wrdreg $0xFFFFFFFF  }
0xa7: {  	s28 =	simm.s32 $_size_execute0_lowered;
	s3 =	sadd.s32 s3, s5;
	[dreg:$0x0] =	wrdreg $0x0  }
0xa8: {  	s5 =	sshll.u32 s28, $0x1;
	[dreg:$0x2] =	wrdreg s3  }
0xa9: {  	[dreg:$0x3] =	wrdreg s5  }
0xaa: {  	[dreg:$0x4] =	wrdreg $0xC0  }
0xab: {  	_ =	task [dreg:s7], $0x5FFFF  }
0xac: {  	[dreg:$0x1] =	wrdreg $0xFFFFFFFF  }
0xad: {  	[dreg:$0x0] =	wrdreg $0x60  }
0xae: {  	[dreg:$0x2] =	wrdreg s24  }
0xaf: {  	[dreg:$0x3] =	wrdreg s2  }
0xb0: {  	[dreg:$0x4] =	wrdreg $0xA8000  }
0xb1: {  	[dreg:$0x5] =	wrdreg $0x9  }
0xb2: {  	_ =	task.clear_ibuf [dreg:s7], $0x6FFFF;
	_ =	strace $0x90000049  }
0xb3: {  	s29 =	simm.s32 $0x9;
	_ =	strace $0x8000004B  }
0xb4: {  	_ =	swait.ge [sflag:s29], $0x1  }
0xb5: {  	[sflag:s29] =	ssyncadd.s32 $0xFFFFFFFF  }
0xb6: {  	_ =	strace $0x9000004B  }
0xb7: {  	_ =	sfence  }
0xb8: {  	s30 =	sld [smem:$0x0];
	_ =	sdelay $0x2  }
0xb9: {  	s31 =	sshll.u32 s1, $0xD;
	s1 =	sshrl.u32 s1, $0x2  }
0xba: {  	s3 =	sand.u32 $0x4000, s31;
	s1 =	sadd.s32 s1, s30  }
0xbb: {  	s0 =	sor.u32 s3, s0;
	s1 =	sshll.u32 s1, $0x11  }
0xbc: {  	s0 =	sor.u32 s1, s0  }
0xbd: {  	s0 =	sadd.s32 $0x8F2B, s0  }
0xbe: {  	[sflag:s0] =	ssyncadd.remote.s32 $0x1  }
0xbf: {  	_ =	sfence.sel $0xFFFF  }
0xc0: {  	[dreg:$0x0] =	wrdreg $0xFFFFFFFF;
	(pc) =	sbr.abs _section_cstart, $3  }
0xc1: {  	[dreg:$0x1] =	wrdreg $0xFFFFFFFF  }
0xc2: {  	_ =	task.clear_ibuf [dreg:s7], $0x2FFFF;
	_ =	strace $0x9FFFFFFF  }
0xc3: {  	(tm) =	ssettm $0x7FFFFFFF  }
tec
execute0_lowered:
.L_overlay_start_1:
0x0: {  	(tag) =	ssettag $0x1  }
0x1: {  	s0 =	srdreg.scid;
	s1 =	rddreg [dreg:$0x0]  }
0x2: {  	s6 =	rddreg [dreg:$0x1];
	s21 =	stileid.u32  }
0x3: {  	s2 =	rddreg [dreg:$0x2];
	s22 =	simm.s32 $0x1400;
	s23 =	simm.s32 $0x80  }
0x4: {  	s24 =	simm.s32 $0x2800;
	s28 =	simm.s32 $0x6800;
	s7 =	smul.u32 $0x2800, s21  }
0x5: {  	s29 =	simm.s32 $0x2780;
	s0 =	sand.u32 $0x1, s0;
	s25 =	smul.u32 $0x50000, s21  }
0x6: {  	s11 =	sadd.s32 $0x130000, s2;
	s12 =	sadd.s32 $0x134000, s2;
	s13 =	sadd.s32 $0x138000, s2  }
0x7: {  	p0 =	seq.s32 s21, $0xF;
	s3 =	sshll.u32 s0, $0x4;
	s10 =	smul.u32 $0x27100, s0  }
0x8: {  	s9 =	ssub.s32 $0x2, s0;
	s0 =	smul.u32 $0x138800, s0;
	s4 =	sor.u32 s21, s3  }
0x9: {  	s3 =	simm.s32 $0x0;
	s8 =	sshrl.u32 s7, $0x3;
	s26 =	sshrl.u32 s9, $0x1  }
0xa: {  	s21 =	simm.s32 $0x3;
	s4 =	smul.u32 $0x2800, s4;
	[smem:$0x7FF] =	sst s3  }
0xb: {  	s20 =	ssub.s32 s9, s26;
	s7 =	sadd.s32 s7, s10;
	s10 =	sadd.s32 $0x12C000, s2  }
0xc: {  	s0 =	sshrl.u32 s0, $0x3;
	s26 =	simm.s32 $0x4800;
	_ =	strace $0x8000004A  }
0xd: {  	s0 =	sadd.s32 s6, s0;
	s18 =	sadd.s32 s6, s7;
	s20 =	smax.u32 s20, $0x1  }
0xe: {  	s5 =	sshrl.u32 s4, $0x3;
	s4 =	sadd.s32 $0x61800, s1;
	s19 =	sadd.s32 $0x25800, s0  }
0xf: {  	s16 =	sadd.s32 s5, s1;
	s1 =	sadd.s32 s8, s1;
	s5 =	sshrl.u32 s25, $0x2  }
0x10: {  	s25 =	simm.s32 $0x1;
	s5 =	sadd.s32 s5, s2;
	s14 =	sadd.s32 $0x57800, s16  }
0x11: {  	s15 =	sadd.s32 $0x1600, s1;
	s16 =	sadd.s32 $0x57A80, s16;
	s30 =	sadd.s32 $0x4000, s5  }
0x12: {  	s17 =	sadd.s32 $0x1880, s1;
	s31 =	sadd.s32 $0x8000, s5;
	[dreg:$0x4] =	wrdreg s30  }
0x13: {  	v0 =	vimm.f32 $0.0e+00;
	s8 =	sadd.s32 $0xC000, s5;
	s9 =	sadd.s32 $0x10000, s5;
	[dreg:$0x5] =	wrdreg s31  }
.LBB2_1:
0x14: {  	s0 =	simm.s32 $0x0;
	s1 =	simm.s32 $0x200  }
.LBB2_2:
0x15: {  	p1 =	sne.s32 s1, $0xFE00;
	[tilespmem:s0+$0x6870] =	vst v0  }
0x16: {  	[tilespmem:s0+$0x6800] =	vst v0  }
0x17: {  	[tilespmem:s0+$0x6810] =	vst v0  }
.Ltmp0:
0x18: {  	[tilespmem:s0+$0x6820] =	vst v0;
	(pc) =	sbr.rel @p1 .LBB2_2-.Ltmp0, $4  }
0x19: {  	[tilespmem:s0+$0x6830] =	vst v0  }
0x1a: {  	[tilespmem:s0+$0x6840] =	vst v0  }
0x1b: {  	[tilespmem:s0+$0x6850] =	vst v0  }
0x1c: {  	[tilespmem:s0+$0x6860] =	vst v0;
	s0 =	sshra.s32 s1, $0x2;
	s1 =	sadd.s32 $0x200, s1  }
0x1d: {  	[tilespmem:s0+$0x6870] =	vst v0  }
0x1e: {  	[tilespmem:s0+$0x6800] =	vst v0  }
0x1f: {  	[tilespmem:s0+$0x6810] =	vst v0  }
0x20: {  	[tilespmem:s0+$0x6820] =	vst v0  }
0x21: {  	[tilespmem:s0+$0x6830] =	vst v0  }
0x22: {  	[tilespmem:s0+$0x6840] =	vst v0  }
0x23: {  	[tilespmem:s0+$0x6850] =	vst v0  }
0x24: {  	[tilespmem:s0+$0x6860] =	vst v0;
	s0 =	simm.s32 @p0 $0x6800;
	s1 =	simm.s32 @p0 $0x3  }
0x25: {  	[spmem:s10] =	stream.linear.scatter @p0 [tilespmem:s0], [sflag:$0x3], $0x4000, $0x38;
	[tilespmem:$0x1E0C0] =	vst v63  }
0x26: {  	_ =	swait.ge @p0 [sflag:s1], $0x4000  }
0x27: {  	[sflag:s1] =	ssyncset.done @p0 $0x0  }
0x28: {  	[sflag:s1] =	ssyncadd.s32 @p0 $0xFFFFC000  }
0x29: {  	[spmem:s11] =	stream.linear.scatter @p0 [tilespmem:s0], [sflag:$0x3], $0x4000, $0x38;
	[tilespmem:$0x1E0C0] =	vst v63  }
0x2a: {  	_ =	swait.ge @p0 [sflag:s1], $0x4000  }
0x2b: {  	[sflag:s1] =	ssyncset.done @p0 $0x0  }
0x2c: {  	[sflag:s1] =	ssyncadd.s32 @p0 $0xFFFFC000  }
0x2d: {  	[spmem:s12] =	stream.linear.scatter @p0 [tilespmem:s0], [sflag:$0x3], $0x4000, $0x38;
	[tilespmem:$0x1E0C0] =	vst v63  }
0x2e: {  	_ =	swait.ge @p0 [sflag:s1], $0x4000  }
0x2f: {  	[sflag:s1] =	ssyncset.done @p0 $0x0  }
0x30: {  	[sflag:s1] =	ssyncadd.s32 @p0 $0xFFFFC000  }
0x31: {  	[spmem:s13] =	stream.linear.scatter @p0 [tilespmem:s0], [sflag:$0x3], $0x800, $0x38;
	[tilespmem:$0x1E0C0] =	vst v63  }
0x32: {  	_ =	swait.ge @p0 [sflag:s1], $0x800  }
0x33: {  	[sflag:s1] =	ssyncset.done @p0 $0x0  }
0x34: {  	s0 =	simm.s32 @!p0 $0x6800;
	[sflag:s1] =	ssyncadd.s32 @p0 $0xFFFFF800;
	s1 =	simm.s32 @!p0 $0x3  }
0x35: {  	[spmem:s5] =	stream.linear.scatter @!p0 [tilespmem:s0], [sflag:$0x3], $0x4000, $0x38;
	[tilespmem:$0x1E0C0] =	vst v63  }
0x36: {  	_ =	swait.ge @!p0 [sflag:s1], $0x4000  }
0x37: {  	[sflag:s1] =	ssyncset.done @!p0 $0x0  }
0x38: {  	s6 =	rddreg [dreg:$0x4];
	[sflag:s1] =	ssyncadd.s32 @!p0 $0xFFFFC000  }
0x39: {  	[spmem:s6] =	stream.linear.scatter @!p0 [tilespmem:s0], [sflag:$0x3], $0x4000, $0x38;
	[tilespmem:$0x1E0C0] =	vst v63  }
0x3a: {  	_ =	swait.ge @!p0 [sflag:s1], $0x4000  }
0x3b: {  	[sflag:s1] =	ssyncset.done @!p0 $0x0  }
0x3c: {  	s6 =	rddreg [dreg:$0x5];
	[sflag:s1] =	ssyncadd.s32 @!p0 $0xFFFFC000  }
0x3d: {  	[spmem:s6] =	stream.linear.scatter @!p0 [tilespmem:s0], [sflag:$0x3], $0x4000, $0x38;
	[tilespmem:$0x1E0C0] =	vst v63  }
0x3e: {  	_ =	swait.ge @!p0 [sflag:s1], $0x4000  }
0x3f: {  	[sflag:s1] =	ssyncset.done @!p0 $0x0  }
0x40: {  	[sflag:s1] =	ssyncadd.s32 @!p0 $0xFFFFC000  }
0x41: {  	[spmem:s8] =	stream.linear.scatter @!p0 [tilespmem:s0], [sflag:$0x3], $0x4000, $0x38;
	[tilespmem:$0x1E0C0] =	vst v63  }
0x42: {  	_ =	swait.ge @!p0 [sflag:s1], $0x4000  }
0x43: {  	[sflag:s1] =	ssyncset.done @!p0 $0x0  }
0x44: {  	[sflag:s1] =	ssyncadd.s32 @!p0 $0xFFFFC000  }
0x45: {  	[spmem:s9] =	stream.linear.scatter @!p0 [tilespmem:s0], [sflag:$0x3], $0x4000, $0x38;
	[tilespmem:$0x1E0C0] =	vst v63  }
0x46: {  	_ =	swait.ge @!p0 [sflag:s1], $0x4000  }
0x47: {  	[sflag:s1] =	ssyncset.done @!p0 $0x0  }
0x48: {  	[sflag:s1] =	ssyncadd.s32 @!p0 $0xFFFFC000  }
0x49: {  	s30 =	simm.s32 $0x0;
	[bflag:$0x0] =	sbarrier.arrive $0xFFFF  }
0x4a: {  	[tilespmem:s30], [sflag:$0x3] =	stream.linear.gather [hbm4b:s14+s30], $0x1400, $0x38;
	[tilespmem:$0x1E0C0] =	vst v63  }
0x4b: {  	_ =	swait.ge [sflag:s21], $0x1400  }
0x4c: {  	[sflag:s21] =	ssyncset.done $0x0  }
0x4d: {  	[sflag:s21] =	ssyncadd.s32 $0xFFFFEC00  }
0x4e: {  	[tilespmem:s22], [sflag:$0x3] =	stream.linear.gather [hbm4b:s15+s30], $0x1400, $0x38;
	[tilespmem:$0x1E0C0] =	vst v63  }
0x4f: {  	_ =	swait.ge [sflag:s21], $0x1400  }
0x50: {  	[sflag:s21] =	ssyncset.done $0x0  }
.Ltmp1:
0x51: {  	[sflag:s21] =	ssyncadd.s32 $0xFFFFEC00;
	(pc) =	sbr.rel .LBB2_4-.Ltmp1, $4  }
0x52: {  	[tilespmem:s24], [sflag:$0x1] =	stream.indirect.gather [hbm4b:s4+s23], $0x40, s30, s23, $0xb8;
	[tilespmem:$0x1E0C0] =	vst v63  }
0x53: {  	_ =	swait.ge [sflag:s25], $0x2000  }
0x54: {  	[sflag:s25] =	ssyncset.done $0x0  }
0x55: {  	[sflag:s25] =	ssyncadd.s32 $0xFFFFE000  }
.LBB2_6:
0x56: {  	s6 =	simm.s32 $0x6840  }
.LBB2_10:
0x57: {  	s6 =	sadd.s32 @p1 $0x80, s6  }
0x58: {  	v2 =	vunpack.i.l.bf16.f32 v1;
	s1 =	smov.u32 @p1 s6  }
0x59: {  	v1 =	vunpack.i.u.bf16.f32 v1;
	[tilespmem:s1+$0xFFFFFFC0] =	vst v2  }
0x5a: {  	[tilespmem:s1+$0x0] =	vst v1  }
0x5b: {  	v1 =	vld [tilespmem:s0+$0x2810];
	_ =	sdelay $0x4  }
0x5c: {  	v2 =	vunpack.i.l.bf16.f32 v1  }
0x5d: {  	v1 =	vunpack.i.u.bf16.f32 v1;
	[tilespmem:s1+$0xFFFFFFD0] =	vst v2  }
0x5e: {  	[tilespmem:s1+$0x10] =	vst v1  }
0x5f: {  	v1 =	vld [tilespmem:s0+$0x2820];
	_ =	sdelay $0x4  }
0x60: {  	v2 =	vunpack.i.u.bf16.f32 v1  }
0x61: {  	v1 =	vunpack.i.l.bf16.f32 v1;
	[tilespmem:s1+$0x20] =	vst v2  }
0x62: {  	[tilespmem:s1+$0xFFFFFFE0] =	vst v1  }
0x63: {  	v1 =	vld [tilespmem:s0+$0x2830];
	_ =	sdelay $0x4  }
0x64: {  	v2 =	vunpack.i.l.bf16.f32 v1  }
0x65: {  	v1 =	vunpack.i.u.bf16.f32 v1;
	[tilespmem:s1+$0xFFFFFFF0] =	vst v2  }
0x66: {  	s0 =	simm.s32 $0x2;
	[tilespmem:s1+$0x30] =	vst v1  }
.LBB2_14:
0x67: {  	s1 =	sadd.s32 $0x1400, s31;
	s30 =	sadd.s32 $0x1, s30  }
0x68: {  	[spmem:s2] =	stream.indirect.scatter.add.f32 [tilespmem:s28], [sflag:$0x3], $0x80, s1, s23, $0xb8;
	[tilespmem:$0x1E0C0] =	vst v63  }
0x69: {  	p1 =	sne.s32 s30, $0x27;
	_ =	swait.ge [sflag:s21], $0x4000  }
.Ltmp2:
0x6a: {  	[sflag:s21] =	ssyncset.done $0x0;
	(pc) =	sbr.rel @!p1 .LBB2_15-.Ltmp2, $4  }
0x6b: {  	[sflag:s21] =	ssyncadd.s32 $0xFFFFC000  }
0x6c: {  	_ =	swait.ge [sflag:s0], $0x2000  }
0x6d: {  	[sflag:s0] =	ssyncset.done $0x0  }
0x6e: {  	[sflag:s0] =	ssyncadd.s32 $0xFFFFE000  }
.LBB2_4:
0x6f: {  	s0 =	sand.u32 $0x1, s30  }
0x70: {  	p1 =	seq.s32 s0, $0x1  }
.Ltmp3:
0x71: {  	_ = 	snop;
	(pc) =	sbr.rel @p1 .LBB2_11-.Ltmp3, $4  }
0x72: {  	_ = 	snop  }
0x73: {  	s1 =	sshll.u32 s30, $0x9  }
0x74: {  	s31 =	sshrl.u32 s1, $0x2  }
0x75: {  	s0 =	sadd.s32 $0x80, s31  }
0x76: {  	[tilespmem:s26], [sflag:$0x2] =	stream.indirect.gather [hbm4b:s4+s23], $0x40, s0, s23, $0xb8;
	[tilespmem:$0x1E0C0] =	vst v63  }
0x77: {  	p2 =	por $0x0, $0x0  }
.Ltmp4:
0x78: {  	s0 =	simm.s32 $0x0;
	(pc) =	sbr.rel @p2 .LBB2_6-.Ltmp4, $2  }
0x79: {  	v1 =	vld [tilespmem:s0+$0x2800];
	_ =	sdelay $0x2  }
0x7a: {  	s1 =	simm.s32 $0x6840;
	p1 =	por $0x0, $0x0  }
0x7b: {  	_ = 	snop  }
0x7c: {  	v2 =	vunpack.i.l.bf16.f32 v1  }
0x7d: {  	v1 =	vunpack.i.u.bf16.f32 v1;
	[tilespmem:s1+$0xFFFFFFC0] =	vst v2  }
0x7e: {  	[tilespmem:s1+$0x0] =	vst v1  }
0x7f: {  	v1 =	vld [tilespmem:s0+$0x2810];
	_ =	sdelay $0x4  }
0x80: {  	v2 =	vunpack.i.l.bf16.f32 v1  }
0x81: {  	v1 =	vunpack.i.u.bf16.f32 v1;
	[tilespmem:s1+$0xFFFFFFD0] =	vst v2  }
0x82: {  	[tilespmem:s1+$0x10] =	vst v1  }
0x83: {  	v1 =	vld [tilespmem:s0+$0x2820];
	_ =	sdelay $0x4  }
0x84: {  	v2 =	vunpack.i.u.bf16.f32 v1  }
0x85: {  	v1 =	vunpack.i.l.bf16.f32 v1;
	[tilespmem:s1+$0x20] =	vst v2  }
0x86: {  	[tilespmem:s1+$0xFFFFFFE0] =	vst v1  }
0x87: {  	v1 =	vld [tilespmem:s0+$0x2830];
	_ =	sdelay $0x4  }
0x88: {  	v2 =	vunpack.i.l.bf16.f32 v1  }
0x89: {  	p2 =	por $0x0, $0x0;
	v1 =	vunpack.i.u.bf16.f32 v1;
	[tilespmem:s1+$0xFFFFFFF0] =	vst v2  }
.Ltmp5:
0x8a: {  	s0 =	simm.s32 $0x40;
	[tilespmem:s1+$0x30] =	vst v1;
	(pc) =	sbr.rel @p2 .LBB2_8-.Ltmp5, $2  }
0x8b: {  	v1 =	vld [tilespmem:s0+$0x2800];
	_ =	sdelay $0x2  }
0x8c: {  	s7 =	simm.s32 $0x200;
	p1 =	por $0x1, $0x1;
	s6 =	simm.s32 $0x6840  }
.LBB2_9:
0x8d: {  	p2 =	seq.s32 s7, $0x7F00;
	_ =	sdelay $0x2  }
0x8e: {  	v2 =	vunpack.i.l.bf16.f32 v1;
	s6 =	sadd.s32 $0x80, s6  }
0x8f: {  	v1 =	vunpack.i.u.bf16.f32 v1;
	[tilespmem:s6+$0xFFFFFFC0] =	vst v2  }
0x90: {  	[tilespmem:s6+$0x0] =	vst v1  }
0x91: {  	v1 =	vld [tilespmem:s0+$0x2810];
	_ =	sdelay $0x4  }
0x92: {  	v2 =	vunpack.i.l.bf16.f32 v1  }
0x93: {  	v1 =	vunpack.i.u.bf16.f32 v1;
	[tilespmem:s6+$0xFFFFFFD0] =	vst v2  }
0x94: {  	[tilespmem:s6+$0x10] =	vst v1  }
0x95: {  	v1 =	vld [tilespmem:s0+$0x2820];
	_ =	sdelay $0x4  }
0x96: {  	v2 =	vunpack.i.u.bf16.f32 v1;
	v1 =	vunpack.i.l.bf16.f32 v1  }
0x97: {  	[tilespmem:s6+$0x20] =	vst v2  }
0x98: {  	[tilespmem:s6+$0xFFFFFFE0] =	vst v1  }
0x99: {  	v1 =	vld [tilespmem:s0+$0x2830];
	_ =	sdelay $0x4  }
.Ltmp6:
0x9a: {  	v2 =	vunpack.i.u.bf16.f32 v1;
	v1 =	vunpack.i.l.bf16.f32 v1;
	(pc) =	sbr.rel @!p2 .LBB2_9-.Ltmp6, $4  }
0x9b: {  	[tilespmem:s6+$0xFFFFFFF0] =	vst v1  }
0x9c: {  	s0 =	sshra.s32 s7, $0x2;
	[tilespmem:s6+$0x30] =	vst v2  }
0x9d: {  	v1 =	vld [tilespmem:s0+$0x2800]  }
0x9e: {  	s7 =	sadd.s32 $0x100, s7  }
.Ltmp7:
0x9f: {  	_ = 	snop;
	(pc) =	sbr.rel .LBB2_10-.Ltmp7, $1  }
0xa0: {  	_ =	sdelay $0x3  }
.LBB2_11:
0xa1: {  	[tilespmem:s24], [sflag:$0x1] =	stream.indirect.gather [hbm4b:s4+s23], $0x40, s0, s23, $0xb8;
	[tilespmem:$0x1E0C0] =	vst v63  }
0xa2: {  	s1 =	simm.s32 $0x0  }
0xa3: {  	v1 =	vld [tilespmem:s1+$0x4800];
	_ =	sdelay $0x4  }
0xa4: {  	s0 =	simm.s32 $0x6840;
	v2 =	vunpack.i.l.bf16.f32 v1  }
0xa5: {  	v1 =	vunpack.i.u.bf16.f32 v1;
	[tilespmem:s0+$0xFFFFFFC0] =	vst v2  }
0xa6: {  	[tilespmem:s0+$0x0] =	vst v1  }
0xa7: {  	v1 =	vld [tilespmem:s1+$0x4810];
	_ =	sdelay $0x4  }
0xa8: {  	v2 =	vunpack.i.l.bf16.f32 v1  }
0xa9: {  	v1 =	vunpack.i.u.bf16.f32 v1;
	[tilespmem:s0+$0xFFFFFFD0] =	vst v2  }
0xaa: {  	[tilespmem:s0+$0x10] =	vst v1  }
0xab: {  	v1 =	vld [tilespmem:s1+$0x4820];
	_ =	sdelay $0x4  }
0xac: {  	v2 =	vunpack.i.u.bf16.f32 v1  }
0xad: {  	v1 =	vunpack.i.l.bf16.f32 v1;
	[tilespmem:s0+$0x20] =	vst v2  }
0xae: {  	[tilespmem:s0+$0xFFFFFFE0] =	vst v1  }
0xaf: {  	v1 =	vld [tilespmem:s1+$0x4830];
	_ =	sdelay $0x4  }
0xb0: {  	v2 =	vunpack.i.l.bf16.f32 v1  }
0xb1: {  	v1 =	vunpack.i.u.bf16.f32 v1;
	[tilespmem:s0+$0xFFFFFFF0] =	vst v2  }
0xb2: {  	s1 =	simm.s32 $0x40;
	[tilespmem:s0+$0x30] =	vst v1  }
0xb3: {  	v1 =	vld [tilespmem:s1+$0x4800]  }
0xb4: {  	s6 =	simm.s32 $0x200  }
.LBB2_12:
0xb5: {  	p1 =	sne.s32 s6, $0x7F00;
	_ =	sdelay $0x2  }
0xb6: {  	s0 =	sadd.s32 $0x80, s0;
	v2 =	vunpack.i.l.bf16.f32 v1  }
0xb7: {  	v1 =	vunpack.i.u.bf16.f32 v1;
	[tilespmem:s0+$0xFFFFFFC0] =	vst v2  }
0xb8: {  	[tilespmem:s0+$0x0] =	vst v1  }
0xb9: {  	v1 =	vld [tilespmem:s1+$0x4810];
	_ =	sdelay $0x4  }
0xba: {  	v2 =	vunpack.i.l.bf16.f32 v1  }
0xbb: {  	v1 =	vunpack.i.u.bf16.f32 v1;
	[tilespmem:s0+$0xFFFFFFD0] =	vst v2  }
0xbc: {  	[tilespmem:s0+$0x10] =	vst v1  }
0xbd: {  	v1 =	vld [tilespmem:s1+$0x4820];
	_ =	sdelay $0x4  }
0xbe: {  	v2 =	vunpack.i.u.bf16.f32 v1;
	v1 =	vunpack.i.l.bf16.f32 v1  }
0xbf: {  	[tilespmem:s0+$0x20] =	vst v2  }
0xc0: {  	[tilespmem:s0+$0xFFFFFFE0] =	vst v1  }
0xc1: {  	v1 =	vld [tilespmem:s1+$0x4830];
	_ =	sdelay $0x4  }
.Ltmp8:
0xc2: {  	v2 =	vunpack.i.u.bf16.f32 v1;
	v1 =	vunpack.i.l.bf16.f32 v1;
	(pc) =	sbr.rel @p1 .LBB2_12-.Ltmp8, $4  }
0xc3: {  	[tilespmem:s0+$0xFFFFFFF0] =	vst v1  }
0xc4: {  	s1 =	sshra.s32 s6, $0x2;
	[tilespmem:s0+$0x30] =	vst v2  }
0xc5: {  	v1 =	vld [tilespmem:s1+$0x4800]  }
0xc6: {  	s6 =	sadd.s32 $0x100, s6  }
0xc7: {  	_ =	sdelay $0x2  }
0xc8: {  	s0 =	sadd.s32 $0x80, s0;
	v2 =	vunpack.i.l.bf16.f32 v1  }
0xc9: {  	v1 =	vunpack.i.u.bf16.f32 v1;
	[tilespmem:s0+$0xFFFFFFC0] =	vst v2  }
0xca: {  	[tilespmem:s0+$0x0] =	vst v1  }
0xcb: {  	v1 =	vld [tilespmem:s1+$0x4810];
	_ =	sdelay $0x4  }
0xcc: {  	v2 =	vunpack.i.l.bf16.f32 v1  }
0xcd: {  	v1 =	vunpack.i.u.bf16.f32 v1;
	[tilespmem:s0+$0xFFFFFFD0] =	vst v2  }
0xce: {  	[tilespmem:s0+$0x10] =	vst v1  }
0xcf: {  	v1 =	vld [tilespmem:s1+$0x4820];
	_ =	sdelay $0x4  }
0xd0: {  	v2 =	vunpack.i.u.bf16.f32 v1  }
0xd1: {  	v1 =	vunpack.i.l.bf16.f32 v1;
	[tilespmem:s0+$0x20] =	vst v2  }
0xd2: {  	[tilespmem:s0+$0xFFFFFFE0] =	vst v1  }
0xd3: {  	v1 =	vld [tilespmem:s1+$0x4830];
	_ =	sdelay $0x2  }
.Ltmp9:
0xd4: {  	_ = 	snop;
	(pc) =	sbr.rel .LBB2_14-.Ltmp9, $4  }
0xd5: {  	_ = 	snop  }
0xd6: {  	v2 =	vunpack.i.l.bf16.f32 v1  }
0xd7: {  	v1 =	vunpack.i.u.bf16.f32 v1;
	[tilespmem:s0+$0xFFFFFFF0] =	vst v2  }
0xd8: {  	[tilespmem:s0+$0x30] =	vst v1;
	s0 =	simm.s32 $0x1  }
.LBB2_8:
.Ltmp10:
0xd9: {  	(pc) =	sbr.rel .LBB2_10-.Ltmp10, $2  }
0xda: {  	_ =	sdelay $0x2  }
0xdb: {  	s6 =	simm.s32 $0x6840  }
.LBB2_15:
0xdc: {  	s1 =	simm.s32 $0x0  }
0xdd: {  	v1 =	vld [tilespmem:s1+$0x4800];
	_ =	sdelay $0x4  }
0xde: {  	s0 =	simm.s32 $0x6840;
	v2 =	vunpack.i.l.bf16.f32 v1  }
0xdf: {  	v1 =	vunpack.i.u.bf16.f32 v1;
	[tilespmem:s0+$0xFFFFFFC0] =	vst v2  }
0xe0: {  	[tilespmem:s0+$0x0] =	vst v1  }
0xe1: {  	v1 =	vld [tilespmem:s1+$0x4810];
	_ =	sdelay $0x4  }
0xe2: {  	v2 =	vunpack.i.l.bf16.f32 v1  }
0xe3: {  	v1 =	vunpack.i.u.bf16.f32 v1;
	[tilespmem:s0+$0xFFFFFFD0] =	vst v2  }
0xe4: {  	[tilespmem:s0+$0x10] =	vst v1  }
0xe5: {  	v1 =	vld [tilespmem:s1+$0x4820];
	_ =	sdelay $0x4  }
0xe6: {  	v2 =	vunpack.i.u.bf16.f32 v1  }
0xe7: {  	v1 =	vunpack.i.l.bf16.f32 v1;
	[tilespmem:s0+$0x20] =	vst v2  }
0xe8: {  	[tilespmem:s0+$0xFFFFFFE0] =	vst v1  }
0xe9: {  	v1 =	vld [tilespmem:s1+$0x4830];
	_ =	sdelay $0x4  }
0xea: {  	v2 =	vunpack.i.l.bf16.f32 v1  }
0xeb: {  	v1 =	vunpack.i.u.bf16.f32 v1;
	[tilespmem:s0+$0xFFFFFFF0] =	vst v2  }
0xec: {  	s1 =	simm.s32 $0x40;
	[tilespmem:s0+$0x30] =	vst v1  }
0xed: {  	v1 =	vld [tilespmem:s1+$0x4800]  }
0xee: {  	s6 =	simm.s32 $0x200  }
.LBB2_16:
0xef: {  	p1 =	sne.s32 s6, $0x7F00;
	_ =	sdelay $0x2  }
0xf0: {  	s0 =	sadd.s32 $0x80, s0;
	v2 =	vunpack.i.l.bf16.f32 v1  }
0xf1: {  	v1 =	vunpack.i.u.bf16.f32 v1;
	[tilespmem:s0+$0xFFFFFFC0] =	vst v2  }
0xf2: {  	[tilespmem:s0+$0x0] =	vst v1  }
0xf3: {  	v1 =	vld [tilespmem:s1+$0x4810];
	_ =	sdelay $0x4  }
0xf4: {  	v2 =	vunpack.i.l.bf16.f32 v1  }
0xf5: {  	v1 =	vunpack.i.u.bf16.f32 v1;
	[tilespmem:s0+$0xFFFFFFD0] =	vst v2  }
0xf6: {  	[tilespmem:s0+$0x10] =	vst v1  }
0xf7: {  	v1 =	vld [tilespmem:s1+$0x4820];
	_ =	sdelay $0x4  }
0xf8: {  	v2 =	vunpack.i.u.bf16.f32 v1;
	v1 =	vunpack.i.l.bf16.f32 v1  }
0xf9: {  	[tilespmem:s0+$0x20] =	vst v2  }
0xfa: {  	[tilespmem:s0+$0xFFFFFFE0] =	vst v1  }
0xfb: {  	v1 =	vld [tilespmem:s1+$0x4830];
	_ =	sdelay $0x4  }
.Ltmp11:
0xfc: {  	v2 =	vunpack.i.u.bf16.f32 v1;
	v1 =	vunpack.i.l.bf16.f32 v1;
	(pc) =	sbr.rel @p1 .LBB2_16-.Ltmp11, $4  }
0xfd: {  	[tilespmem:s0+$0xFFFFFFF0] =	vst v1  }
0xfe: {  	s1 =	sshra.s32 s6, $0x2;
	[tilespmem:s0+$0x30] =	vst v2  }
0xff: {  	v1 =	vld [tilespmem:s1+$0x4800]  }
0x100: {  	s6 =	sadd.s32 $0x100, s6  }
0x101: {  	_ =	sdelay $0x2  }
0x102: {  	s0 =	sadd.s32 $0x80, s0;
	v2 =	vunpack.i.l.bf16.f32 v1  }
0x103: {  	v1 =	vunpack.i.u.bf16.f32 v1;
	[tilespmem:s0+$0xFFFFFFC0] =	vst v2  }
0x104: {  	[tilespmem:s0+$0x0] =	vst v1  }
0x105: {  	v1 =	vld [tilespmem:s1+$0x4810];
	_ =	sdelay $0x4  }
0x106: {  	v2 =	vunpack.i.l.bf16.f32 v1  }
0x107: {  	v1 =	vunpack.i.u.bf16.f32 v1;
	[tilespmem:s0+$0xFFFFFFD0] =	vst v2  }
0x108: {  	[tilespmem:s0+$0x10] =	vst v1  }
0x109: {  	v1 =	vld [tilespmem:s1+$0x4820];
	_ =	sdelay $0x4  }
0x10a: {  	v2 =	vunpack.i.u.bf16.f32 v1  }
0x10b: {  	v1 =	vunpack.i.l.bf16.f32 v1;
	[tilespmem:s0+$0x20] =	vst v2  }
0x10c: {  	[tilespmem:s0+$0xFFFFFFE0] =	vst v1  }
0x10d: {  	v1 =	vld [tilespmem:s1+$0x4830];
	_ =	sdelay $0x4  }
0x10e: {  	v2 =	vunpack.i.l.bf16.f32 v1  }
0x10f: {  	v1 =	vunpack.i.u.bf16.f32 v1;
	[tilespmem:s0+$0xFFFFFFF0] =	vst v2  }
0x110: {  	[tilespmem:s0+$0x30] =	vst v1  }
0x111: {  	[spmem:s2] =	stream.indirect.scatter.add.f32 [tilespmem:s28], [sflag:$0x3], $0x80, s29, s23, $0xb8;
	[tilespmem:$0x1E0C0] =	vst v63  }
0x112: {  	_ =	swait.ge [sflag:s21], $0x4000  }
0x113: {  	[sflag:s21] =	ssyncset.done $0x0  }
0x114: {  	s30 =	simm.s32 $0x0;
	[sflag:s21] =	ssyncadd.s32 $0xFFFFC000  }
0x115: {  	[tilespmem:s30], [sflag:$0x3] =	stream.linear.gather [hbm4b:s16+s30], $0x1400, $0x38;
	[tilespmem:$0x1E0C0] =	vst v63  }
0x116: {  	_ =	swait.ge [sflag:s21], $0x1400  }
0x117: {  	[sflag:s21] =	ssyncset.done $0x0  }
0x118: {  	[sflag:s21] =	ssyncadd.s32 $0xFFFFEC00  }
0x119: {  	[tilespmem:s22], [sflag:$0x3] =	stream.linear.gather [hbm4b:s17+s30], $0x1400, $0x38;
	[tilespmem:$0x1E0C0] =	vst v63  }
0x11a: {  	_ =	swait.ge [sflag:s21], $0x1400  }
0x11b: {  	[sflag:s21] =	ssyncset.done $0x0  }
.Ltmp12:
0x11c: {  	[sflag:s21] =	ssyncadd.s32 $0xFFFFEC00;
	(pc) =	sbr.rel .LBB2_18-.Ltmp12, $4  }
0x11d: {  	[tilespmem:s24], [sflag:$0x1] =	stream.indirect.gather [hbm4b:s4+s23], $0x40, s30, s23, $0xb8;
	[tilespmem:$0x1E0C0] =	vst v63  }
0x11e: {  	_ =	swait.ge [sflag:s25], $0x2000  }
0x11f: {  	[sflag:s25] =	ssyncset.done $0x0  }
0x120: {  	[sflag:s25] =	ssyncadd.s32 $0xFFFFE000  }
.LBB2_20:
0x121: {  	s6 =	simm.s32 $0x6840  }
.LBB2_24:
0x122: {  	s6 =	sadd.s32 @p1 $0x80, s6  }
0x123: {  	v2 =	vunpack.i.l.bf16.f32 v1;
	s1 =	smov.u32 @p1 s6  }
0x124: {  	v1 =	vunpack.i.u.bf16.f32 v1;
	[tilespmem:s1+$0xFFFFFFC0] =	vst v2  }
0x125: {  	[tilespmem:s1+$0x0] =	vst v1  }
0x126: {  	v1 =	vld [tilespmem:s0+$0x2810];
	_ =	sdelay $0x4  }
0x127: {  	v2 =	vunpack.i.l.bf16.f32 v1  }
0x128: {  	v1 =	vunpack.i.u.bf16.f32 v1;
	[tilespmem:s1+$0xFFFFFFD0] =	vst v2  }
0x129: {  	[tilespmem:s1+$0x10] =	vst v1  }
0x12a: {  	v1 =	vld [tilespmem:s0+$0x2820];
	_ =	sdelay $0x4  }
0x12b: {  	v2 =	vunpack.i.u.bf16.f32 v1  }
0x12c: {  	v1 =	vunpack.i.l.bf16.f32 v1;
	[tilespmem:s1+$0x20] =	vst v2  }
0x12d: {  	[tilespmem:s1+$0xFFFFFFE0] =	vst v1  }
0x12e: {  	v1 =	vld [tilespmem:s0+$0x2830];
	_ =	sdelay $0x4  }
0x12f: {  	v2 =	vunpack.i.l.bf16.f32 v1  }
0x130: {  	v1 =	vunpack.i.u.bf16.f32 v1;
	[tilespmem:s1+$0xFFFFFFF0] =	vst v2  }
0x131: {  	s0 =	simm.s32 $0x2;
	[tilespmem:s1+$0x30] =	vst v1  }
.LBB2_28:
0x132: {  	s1 =	sadd.s32 $0x1400, s31;
	s30 =	sadd.s32 $0x1, s30  }
0x133: {  	[spmem:s2] =	stream.indirect.scatter.add.f32 [tilespmem:s28], [sflag:$0x3], $0x80, s1, s23, $0xb8;
	[tilespmem:$0x1E0C0] =	vst v63  }
0x134: {  	p1 =	sne.s32 s30, $0x27;
	_ =	swait.ge [sflag:s21], $0x4000  }
.Ltmp13:
0x135: {  	[sflag:s21] =	ssyncset.done $0x0;
	(pc) =	sbr.rel @!p1 .LBB2_29-.Ltmp13, $4  }
0x136: {  	[sflag:s21] =	ssyncadd.s32 $0xFFFFC000  }
0x137: {  	_ =	swait.ge [sflag:s0], $0x2000  }
0x138: {  	[sflag:s0] =	ssyncset.done $0x0  }
0x139: {  	[sflag:s0] =	ssyncadd.s32 $0xFFFFE000  }
.LBB2_18:
0x13a: {  	s0 =	sand.u32 $0x1, s30  }
0x13b: {  	p1 =	seq.s32 s0, $0x1  }
.Ltmp14:
0x13c: {  	_ = 	snop;
	(pc) =	sbr.rel @p1 .LBB2_25-.Ltmp14, $4  }
0x13d: {  	_ = 	snop  }
0x13e: {  	s1 =	sshll.u32 s30, $0x9  }
0x13f: {  	s31 =	sshrl.u32 s1, $0x2  }
0x140: {  	s0 =	sadd.s32 $0x80, s31  }
0x141: {  	[tilespmem:s26], [sflag:$0x2] =	stream.indirect.gather [hbm4b:s4+s23], $0x40, s0, s23, $0xb8;
	[tilespmem:$0x1E0C0] =	vst v63  }
0x142: {  	p2 =	por $0x0, $0x0  }
.Ltmp15:
0x143: {  	s0 =	simm.s32 $0x0;
	(pc) =	sbr.rel @p2 .LBB2_20-.Ltmp15, $2  }
0x144: {  	v1 =	vld [tilespmem:s0+$0x2800];
	_ =	sdelay $0x2  }
0x145: {  	s1 =	simm.s32 $0x6840;
	p1 =	por $0x0, $0x0  }
0x146: {  	_ = 	snop  }
0x147: {  	v2 =	vunpack.i.l.bf16.f32 v1  }
0x148: {  	v1 =	vunpack.i.u.bf16.f32 v1;
	[tilespmem:s1+$0xFFFFFFC0] =	vst v2  }
0x149: {  	[tilespmem:s1+$0x0] =	vst v1  }
0x14a: {  	v1 =	vld [tilespmem:s0+$0x2810];
	_ =	sdelay $0x4  }
0x14b: {  	v2 =	vunpack.i.l.bf16.f32 v1  }
0x14c: {  	v1 =	vunpack.i.u.bf16.f32 v1;
	[tilespmem:s1+$0xFFFFFFD0] =	vst v2  }
0x14d: {  	[tilespmem:s1+$0x10] =	vst v1  }
0x14e: {  	v1 =	vld [tilespmem:s0+$0x2820];
	_ =	sdelay $0x4  }
0x14f: {  	v2 =	vunpack.i.u.bf16.f32 v1  }
0x150: {  	v1 =	vunpack.i.l.bf16.f32 v1;
	[tilespmem:s1+$0x20] =	vst v2  }
0x151: {  	[tilespmem:s1+$0xFFFFFFE0] =	vst v1  }
0x152: {  	v1 =	vld [tilespmem:s0+$0x2830];
	_ =	sdelay $0x4  }
0x153: {  	v2 =	vunpack.i.l.bf16.f32 v1  }
0x154: {  	p2 =	por $0x0, $0x0;
	v1 =	vunpack.i.u.bf16.f32 v1;
	[tilespmem:s1+$0xFFFFFFF0] =	vst v2  }
.Ltmp16:
0x155: {  	s0 =	simm.s32 $0x40;
	[tilespmem:s1+$0x30] =	vst v1;
	(pc) =	sbr.rel @p2 .LBB2_22-.Ltmp16, $2  }
0x156: {  	v1 =	vld [tilespmem:s0+$0x2800];
	_ =	sdelay $0x2  }
0x157: {  	s7 =	simm.s32 $0x200;
	p1 =	por $0x1, $0x1;
	s6 =	simm.s32 $0x6840  }
.LBB2_23:
0x158: {  	p2 =	seq.s32 s7, $0x7F00;
	_ =	sdelay $0x2  }
0x159: {  	v2 =	vunpack.i.l.bf16.f32 v1;
	s6 =	sadd.s32 $0x80, s6  }
0x15a: {  	v1 =	vunpack.i.u.bf16.f32 v1;
	[tilespmem:s6+$0xFFFFFFC0] =	vst v2  }
0x15b: {  	[tilespmem:s6+$0x0] =	vst v1  }
0x15c: {  	v1 =	vld [tilespmem:s0+$0x2810];
	_ =	sdelay $0x4  }
0x15d: {  	v2 =	vunpack.i.l.bf16.f32 v1  }
0x15e: {  	v1 =	vunpack.i.u.bf16.f32 v1;
	[tilespmem:s6+$0xFFFFFFD0] =	vst v2  }
0x15f: {  	[tilespmem:s6+$0x10] =	vst v1  }
0x160: {  	v1 =	vld [tilespmem:s0+$0x2820];
	_ =	sdelay $0x4  }
0x161: {  	v2 =	vunpack.i.u.bf16.f32 v1;
	v1 =	vunpack.i.l.bf16.f32 v1  }
0x162: {  	[tilespmem:s6+$0x20] =	vst v2  }
0x163: {  	[tilespmem:s6+$0xFFFFFFE0] =	vst v1  }
0x164: {  	v1 =	vld [tilespmem:s0+$0x2830];
	_ =	sdelay $0x4  }
.Ltmp17:
0x165: {  	v2 =	vunpack.i.u.bf16.f32 v1;
	v1 =	vunpack.i.l.bf16.f32 v1;
	(pc) =	sbr.rel @!p2 .LBB2_23-.Ltmp17, $4  }
0x166: {  	[tilespmem:s6+$0xFFFFFFF0] =	vst v1  }
0x167: {  	s0 =	sshra.s32 s7, $0x2;
	[tilespmem:s6+$0x30] =	vst v2  }
0x168: {  	v1 =	vld [tilespmem:s0+$0x2800]  }
0x169: {  	s7 =	sadd.s32 $0x100, s7  }
.Ltmp18:
0x16a: {  	_ = 	snop;
	(pc) =	sbr.rel .LBB2_24-.Ltmp18, $1  }
0x16b: {  	_ =	sdelay $0x3  }
.LBB2_25:
0x16c: {  	[tilespmem:s24], [sflag:$0x1] =	stream.indirect.gather [hbm4b:s4+s23], $0x40, s0, s23, $0xb8;
	[tilespmem:$0x1E0C0] =	vst v63  }
0x16d: {  	s1 =	simm.s32 $0x0  }
0x16e: {  	v1 =	vld [tilespmem:s1+$0x4800];
	_ =	sdelay $0x4  }
0x16f: {  	s0 =	simm.s32 $0x6840;
	v2 =	vunpack.i.l.bf16.f32 v1  }
0x170: {  	v1 =	vunpack.i.u.bf16.f32 v1;
	[tilespmem:s0+$0xFFFFFFC0] =	vst v2  }
0x171: {  	[tilespmem:s0+$0x0] =	vst v1  }
0x172: {  	v1 =	vld [tilespmem:s1+$0x4810];
	_ =	sdelay $0x4  }
0x173: {  	v2 =	vunpack.i.l.bf16.f32 v1  }
0x174: {  	v1 =	vunpack.i.u.bf16.f32 v1;
	[tilespmem:s0+$0xFFFFFFD0] =	vst v2  }
0x175: {  	[tilespmem:s0+$0x10] =	vst v1  }
0x176: {  	v1 =	vld [tilespmem:s1+$0x4820];
	_ =	sdelay $0x4  }
0x177: {  	v2 =	vunpack.i.u.bf16.f32 v1  }
0x178: {  	v1 =	vunpack.i.l.bf16.f32 v1;
	[tilespmem:s0+$0x20] =	vst v2  }
0x179: {  	[tilespmem:s0+$0xFFFFFFE0] =	vst v1  }
0x17a: {  	v1 =	vld [tilespmem:s1+$0x4830];
	_ =	sdelay $0x4  }
0x17b: {  	v2 =	vunpack.i.l.bf16.f32 v1  }
0x17c: {  	v1 =	vunpack.i.u.bf16.f32 v1;
	[tilespmem:s0+$0xFFFFFFF0] =	vst v2  }
0x17d: {  	s1 =	simm.s32 $0x40;
	[tilespmem:s0+$0x30] =	vst v1  }
0x17e: {  	v1 =	vld [tilespmem:s1+$0x4800]  }
0x17f: {  	s6 =	simm.s32 $0x200  }
.LBB2_26:
0x180: {  	p1 =	sne.s32 s6, $0x7F00;
	_ =	sdelay $0x2  }
0x181: {  	s0 =	sadd.s32 $0x80, s0;
	v2 =	vunpack.i.l.bf16.f32 v1  }
0x182: {  	v1 =	vunpack.i.u.bf16.f32 v1;
	[tilespmem:s0+$0xFFFFFFC0] =	vst v2  }
0x183: {  	[tilespmem:s0+$0x0] =	vst v1  }
0x184: {  	v1 =	vld [tilespmem:s1+$0x4810];
	_ =	sdelay $0x4  }
0x185: {  	v2 =	vunpack.i.l.bf16.f32 v1  }
0x186: {  	v1 =	vunpack.i.u.bf16.f32 v1;
	[tilespmem:s0+$0xFFFFFFD0] =	vst v2  }
0x187: {  	[tilespmem:s0+$0x10] =	vst v1  }
0x188: {  	v1 =	vld [tilespmem:s1+$0x4820];
	_ =	sdelay $0x4  }
0x189: {  	v2 =	vunpack.i.u.bf16.f32 v1;
	v1 =	vunpack.i.l.bf16.f32 v1  }
0x18a: {  	[tilespmem:s0+$0x20] =	vst v2  }
0x18b: {  	[tilespmem:s0+$0xFFFFFFE0] =	vst v1  }
0x18c: {  	v1 =	vld [tilespmem:s1+$0x4830];
	_ =	sdelay $0x4  }
.Ltmp19:
0x18d: {  	v2 =	vunpack.i.u.bf16.f32 v1;
	v1 =	vunpack.i.l.bf16.f32 v1;
	(pc) =	sbr.rel @p1 .LBB2_26-.Ltmp19, $4  }
0x18e: {  	[tilespmem:s0+$0xFFFFFFF0] =	vst v1  }
0x18f: {  	s1 =	sshra.s32 s6, $0x2;
	[tilespmem:s0+$0x30] =	vst v2  }
0x190: {  	v1 =	vld [tilespmem:s1+$0x4800]  }
0x191: {  	s6 =	sadd.s32 $0x100, s6  }
0x192: {  	_ =	sdelay $0x2  }
0x193: {  	s0 =	sadd.s32 $0x80, s0;
	v2 =	vunpack.i.l.bf16.f32 v1  }
0x194: {  	v1 =	vunpack.i.u.bf16.f32 v1;
	[tilespmem:s0+$0xFFFFFFC0] =	vst v2  }
0x195: {  	[tilespmem:s0+$0x0] =	vst v1  }
0x196: {  	v1 =	vld [tilespmem:s1+$0x4810];
	_ =	sdelay $0x4  }
0x197: {  	v2 =	vunpack.i.l.bf16.f32 v1  }
0x198: {  	v1 =	vunpack.i.u.bf16.f32 v1;
	[tilespmem:s0+$0xFFFFFFD0] =	vst v2  }
0x199: {  	[tilespmem:s0+$0x10] =	vst v1  }
0x19a: {  	v1 =	vld [tilespmem:s1+$0x4820];
	_ =	sdelay $0x4  }
0x19b: {  	v2 =	vunpack.i.u.bf16.f32 v1  }
0x19c: {  	v1 =	vunpack.i.l.bf16.f32 v1;
	[tilespmem:s0+$0x20] =	vst v2  }
0x19d: {  	[tilespmem:s0+$0xFFFFFFE0] =	vst v1  }
0x19e: {  	v1 =	vld [tilespmem:s1+$0x4830];
	_ =	sdelay $0x2  }
.Ltmp20:
0x19f: {  	_ = 	snop;
	(pc) =	sbr.rel .LBB2_28-.Ltmp20, $4  }
0x1a0: {  	_ = 	snop  }
0x1a1: {  	v2 =	vunpack.i.l.bf16.f32 v1  }
0x1a2: {  	v1 =	vunpack.i.u.bf16.f32 v1;
	[tilespmem:s0+$0xFFFFFFF0] =	vst v2  }
0x1a3: {  	[tilespmem:s0+$0x30] =	vst v1;
	s0 =	simm.s32 $0x1  }
.LBB2_22:
.Ltmp21:
0x1a4: {  	(pc) =	sbr.rel .LBB2_24-.Ltmp21, $2  }
0x1a5: {  	_ =	sdelay $0x2  }
0x1a6: {  	s6 =	simm.s32 $0x6840  }
.LBB2_29:
0x1a7: {  	s1 =	simm.s32 $0x0  }
0x1a8: {  	v1 =	vld [tilespmem:s1+$0x4800];
	_ =	sdelay $0x4  }
0x1a9: {  	s0 =	simm.s32 $0x6840;
	v2 =	vunpack.i.l.bf16.f32 v1  }
0x1aa: {  	v1 =	vunpack.i.u.bf16.f32 v1;
	[tilespmem:s0+$0xFFFFFFC0] =	vst v2  }
0x1ab: {  	[tilespmem:s0+$0x0] =	vst v1  }
0x1ac: {  	v1 =	vld [tilespmem:s1+$0x4810];
	_ =	sdelay $0x4  }
0x1ad: {  	v2 =	vunpack.i.l.bf16.f32 v1  }
0x1ae: {  	v1 =	vunpack.i.u.bf16.f32 v1;
	[tilespmem:s0+$0xFFFFFFD0] =	vst v2  }
0x1af: {  	[tilespmem:s0+$0x10] =	vst v1  }
0x1b0: {  	v1 =	vld [tilespmem:s1+$0x4820];
	_ =	sdelay $0x4  }
0x1b1: {  	v2 =	vunpack.i.u.bf16.f32 v1  }
0x1b2: {  	v1 =	vunpack.i.l.bf16.f32 v1;
	[tilespmem:s0+$0x20] =	vst v2  }
0x1b3: {  	[tilespmem:s0+$0xFFFFFFE0] =	vst v1  }
0x1b4: {  	v1 =	vld [tilespmem:s1+$0x4830];
	_ =	sdelay $0x4  }
0x1b5: {  	v2 =	vunpack.i.l.bf16.f32 v1  }
0x1b6: {  	v1 =	vunpack.i.u.bf16.f32 v1;
	[tilespmem:s0+$0xFFFFFFF0] =	vst v2  }
0x1b7: {  	s1 =	simm.s32 $0x40;
	[tilespmem:s0+$0x30] =	vst v1  }
0x1b8: {  	v1 =	vld [tilespmem:s1+$0x4800]  }
0x1b9: {  	s6 =	simm.s32 $0x200  }
.LBB2_30:
0x1ba: {  	p1 =	sne.s32 s6, $0x7F00;
	_ =	sdelay $0x2  }
0x1bb: {  	s0 =	sadd.s32 $0x80, s0;
	v2 =	vunpack.i.l.bf16.f32 v1  }
0x1bc: {  	v1 =	vunpack.i.u.bf16.f32 v1;
	[tilespmem:s0+$0xFFFFFFC0] =	vst v2  }
0x1bd: {  	[tilespmem:s0+$0x0] =	vst v1  }
0x1be: {  	v1 =	vld [tilespmem:s1+$0x4810];
	_ =	sdelay $0x4  }
0x1bf: {  	v2 =	vunpack.i.l.bf16.f32 v1  }
0x1c0: {  	v1 =	vunpack.i.u.bf16.f32 v1;
	[tilespmem:s0+$0xFFFFFFD0] =	vst v2  }
0x1c1: {  	[tilespmem:s0+$0x10] =	vst v1  }
0x1c2: {  	v1 =	vld [tilespmem:s1+$0x4820];
	_ =	sdelay $0x4  }
0x1c3: {  	v2 =	vunpack.i.u.bf16.f32 v1;
	v1 =	vunpack.i.l.bf16.f32 v1  }
0x1c4: {  	[tilespmem:s0+$0x20] =	vst v2  }
0x1c5: {  	[tilespmem:s0+$0xFFFFFFE0] =	vst v1  }
0x1c6: {  	v1 =	vld [tilespmem:s1+$0x4830];
	_ =	sdelay $0x4  }
.Ltmp22:
0x1c7: {  	v2 =	vunpack.i.u.bf16.f32 v1;
	v1 =	vunpack.i.l.bf16.f32 v1;
	(pc) =	sbr.rel @p1 .LBB2_30-.Ltmp22, $4  }
0x1c8: {  	[tilespmem:s0+$0xFFFFFFF0] =	vst v1  }
0x1c9: {  	s1 =	sshra.s32 s6, $0x2;
	[tilespmem:s0+$0x30] =	vst v2  }
0x1ca: {  	v1 =	vld [tilespmem:s1+$0x4800]  }
0x1cb: {  	s6 =	sadd.s32 $0x100, s6  }
0x1cc: {  	_ =	sdelay $0x2  }
0x1cd: {  	s0 =	sadd.s32 $0x80, s0;
	v2 =	vunpack.i.l.bf16.f32 v1  }
0x1ce: {  	v1 =	vunpack.i.u.bf16.f32 v1;
	[tilespmem:s0+$0xFFFFFFC0] =	vst v2  }
0x1cf: {  	[tilespmem:s0+$0x0] =	vst v1  }
0x1d0: {  	v1 =	vld [tilespmem:s1+$0x4810];
	_ =	sdelay $0x4  }
0x1d1: {  	v2 =	vunpack.i.l.bf16.f32 v1  }
0x1d2: {  	v1 =	vunpack.i.u.bf16.f32 v1;
	[tilespmem:s0+$0xFFFFFFD0] =	vst v2  }
0x1d3: {  	[tilespmem:s0+$0x10] =	vst v1  }
0x1d4: {  	v1 =	vld [tilespmem:s1+$0x4820];
	_ =	sdelay $0x4  }
0x1d5: {  	v2 =	vunpack.i.u.bf16.f32 v1  }
0x1d6: {  	v1 =	vunpack.i.l.bf16.f32 v1;
	[tilespmem:s0+$0x20] =	vst v2  }
0x1d7: {  	[tilespmem:s0+$0xFFFFFFE0] =	vst v1  }
0x1d8: {  	v1 =	vld [tilespmem:s1+$0x4830];
	_ =	sdelay $0x4  }
0x1d9: {  	v2 =	vunpack.i.l.bf16.f32 v1  }
0x1da: {  	v1 =	vunpack.i.u.bf16.f32 v1;
	[tilespmem:s0+$0xFFFFFFF0] =	vst v2  }
0x1db: {  	[tilespmem:s0+$0x30] =	vst v1  }
0x1dc: {  	[spmem:s2] =	stream.indirect.scatter.add.f32 [tilespmem:s28], [sflag:$0x3], $0x80, s29, s23, $0xb8;
	[tilespmem:$0x1E0C0] =	vst v63  }
0x1dd: {  	_ =	swait.ge [sflag:s21], $0x4000  }
0x1de: {  	[sflag:s21] =	ssyncset.done $0x0  }
0x1df: {  	[sflag:s21] =	ssyncadd.s32 $0xFFFFC000  }
0x1e0: {  	s1 =	simm.s32 @p0 $0x1FC3;
	s0 =	sshrl.u32 @p0 s10, $0x3;
	[bflag:$0x0] =	sbarrier.arrive $0xFFFF  }
0x1e1: {  	[hbm:s19], [sflag:s1] =	dma.local @p0 [spmem:s0], $0x1900  }
0x1e2: {  	s0 =	simm.s32 @p0 $0x3  }
0x1e3: {  	s3 =	sadd.s32 $0x1, s3;
	s1 =	stileid.u32;
	_ =	swait.ge @p0 [sflag:s0], $0x1900  }
0x1e4: {  	p1 =	sne.s32 s3, s20;
	s1 =	sshll.u32 @!p0 s1, $0x6;
	[sflag:s0] =	ssyncset.done @p0 $0x0  }
0x1e5: {  	[sflag:s0] =	ssyncadd.s32 @p0 $0xFFFFE700;
	s0 =	sor.u32 @!p0 $0x1C03, s1;
	s1 =	sshrl.u32 @!p0 s5, $0x3  }
0x1e6: {  	[hbm:s18], [sflag:s0] =	dma.local @!p0 [spmem:s1], $0x2800  }
.Ltmp23:
0x1e7: {  	_ = 	snop;
	(pc) =	sbr.rel @p1 .LBB2_1-.Ltmp23, $4  }
0x1e8: {  	s0 =	simm.s32 @!p0 $0x3  }
0x1e9: {  	_ =	swait.ge @!p0 [sflag:s0], $0x2800  }
0x1ea: {  	[sflag:s0] =	ssyncset.done @!p0 $0x0  }
0x1eb: {  	[sflag:s0] =	ssyncadd.s32 @!p0 $0xFFFFD800  }
0x1ec: {  	_ =	sfence.sel $0x180000  }
0x1ed: {  	[bflag:$0x0] =	sbarrier.arrive $0xFFFF  }
0x1ee: {  	_ =	strace $0x9000004A  }
0x1ef: {  	s0 =	stileid.u32;
	[bflag:$0x2] =	sbarrier.arrive $0xFFFF  }
0x1f0: {  	p0 =	sne.s32 s0, $0x0;
	s0 =	rddreg [dreg:$0x3]  }
0x1f1: {  	s0 =	sadd.s32 @!p0 $0x100000, s0  }
0x1f2: {  	[sflag:s0] =	ssyncadd.tile.s32 @!p0 $0x1;
	_ =	shalt  }
.Lfunc_end2:
_tile_overlayer_lowered:
.L_overlay_start_2:
0x1f3: {  	(tag) =	ssettag $0x2  }
0x1f4: {  	s0 =	rddreg [dreg:$0x0];
	s2 =	stileid.u32  }
0x1f5: {  	s1 =	rddreg [dreg:$0x1];
	p0 =	sne.s32 s2, $0x0  }
0x1f6: {  	s3 =	rddreg [dreg:$0x2];
	[bflag:$0x3] =	sbarrier.arrive $0xFFFF;
	s2 =	simm.s32 @!p0 $0x1C03  }
0x1f7: {  	[timem:s3], [sflag:s2] =	dma.local @!p0 [hbm:s0], s1  }
0x1f8: {  	s0 =	simm.s32 @!p0 $0x3  }
0x1f9: {  	_ =	swait.ge @!p0 [sflag:s0], s1  }
0x1fa: {  	s1 =	ssub.s32 @!p0 $0x0, s1;
	[sflag:s0] =	ssyncset.done @!p0 $0x0  }
0x1fb: {  	[sflag:s0] =	ssyncadd.s32 @!p0 s1  }
0x1fc: {  	[bflag:$0x3] =	sbarrier.arrive $0xFFFF  }
0x1fd: {  	_ =	shalt  }

// kernel: kernel.7.cloned.1.call-start
scs
__scs_entry_jumppad:
0x0: {  	(pc) =	sbr.rel $0x88, $3  }
0x1: {  	(tag) =	ssettag $0x0;
	lr =	simm.s32 $0x1  }
0x2: {  	[smem:$0x3F9D] =	sst lr;
	_ =	strace $0xD0000000  }
0x3: {  	_ = 	snop  }
0x4: {  	_ = 	snop  }
0x5: {  	_ = 	snop  }
0x6: {  	_ = 	snop  }
0x7: {  	_ = 	snop  }
__scs_overlays_trampoline_lowered:
0x8: {  	[smem:$0x3FAC] =	sst s0  }
0x9: {  	[smem:$0x3FAD] =	sst s1  }
0xa: {  	[smem:$0x3FAE] =	sst s2  }
0xb: {  	[smem:$0x3FAF] =	sst s3  }
0xc: {  	[smem:$0x3FB0] =	sst s4  }
0xd: {  	[smem:$0x3FB1] =	sst s5  }
0xe: {  	[smem:$0x3FB2] =	sst s6  }
0xf: {  	[smem:$0x3FB3] =	sst s7  }
0x10: {  	[smem:$0x3FB4] =	sst s8  }
0x11: {  	[smem:$0x3FB5] =	sst s9;
	s0 =	simm.s32 @!p0 $0x0  }
0x12: {  	s1 =	sld [smem:$0x3F9B];
	s0 =	simm.s32 @p0 $0x1  }
0x13: {  	[smem:$0x3FB6] =	sst s0;
	s0 =	simm.s32 @!p1 $0x0  }
0x14: {  	s2 =	sld [smem:$0x3F9A];
	s0 =	simm.s32 @p1 $0x1  }
0x15: {  	[smem:$0x3FB7] =	sst s0;
	s0 =	simm.s32 @!p2 $0x0  }
0x16: {  	s3 =	sld [smem:$0x3FDB];
	s0 =	simm.s32 @p2 $0x1  }
0x17: {  	s4 =	simm.s32 $0x1BF5;
	[smem:$0x3FB9] =	sst s0  }
0x18: {  	s0 =	sld [smem:$0x3F9C];
	_ =	swait.ge [sflag:s4], $0x0  }
0x19: {  	s7 =	sld [smem:$0x3F9D]  }
0x1a: {  	s8 =	sadd.s32 $0xFFFFE003, lr  }
0x1b: {  	s9 =	sadd.s32 $0xFFFFFEF7, lr;
	s5 =	simm.s32 $0xFFFFFFFF;
	p2 =	slt.u32 s8, $0xFFFFF086  }
0x1c: {  	p1 =	slt.u32 s9, $0xF7A;
	s5 =	simm.s32 @!p2 $0x0  }
0x1d: {  	s5 =	simm.s32 @p1 $0x1;
	p0 =	seq.s32 s7, s2  }
0x1e: {  	s7 =	smul.u32 @!p0 $0xF7A, s2;
	p2 =	seq.s32 @!p0 s5, $0x0  }
0x1f: {  	s9 =	smul.u32 $0xF7A, s1;
	s8 =	simm.s32 @!p0 $0x1BF5;
	p2 =	por !p2, p0  }
0x20: {  	[sflag:s8] =	ssyncset.s32 @!p0 $0xFFFFF086;
	s6 =	sadd.s32 @!p0 s3, s7;
	s7 =	simm.s32 @!p0 $0x108  }
0x21: {  	s3 =	sadd.s32 s3, s9;
	s6 =	sadd.s32 @!p0 $0x88, s6;
	s7 =	simm.s32 @p2 $0x1082  }
0x22: {  	[simem:s7], [sflag:s8] =	dma.local @!p0 [hbm:s6], $0xF7A  }
0x23: {  	s9 =	sor.u32 $0xD0000000, s2;
	s6 =	simm.s32 $0x108;
	_ =	swait.ge @!p0 [sflag:s8], $0x0  }
0x24: {  	s3 =	sadd.s32 $0x88, s3;
	s6 =	simm.s32 @!p1 $0x1082;
	[sflag:s4] =	ssyncset.s32 $0xFFFFF086  }
0x25: {  	[simem:s6], [sflag:s4] =	dma.local [hbm:s3], $0xF7A  }
0x26: {  	[smem:$0x3F9D] =	sst s1;
	(tag) =	ssettag s2;
	_ =	strace s9  }
0x27: {  	s1 =	sld [smem:$0x3FAD]  }
0x28: {  	s2 =	sld [smem:$0x3FAE]  }
0x29: {  	s4 =	sld [smem:$0x3FB0]  }
0x2a: {  	p0 =	seq.s32 s5, $0x0;
	s5 =	sld [smem:$0x3FB1]  }
0x2b: {  	s6 =	sld [smem:$0x3FB2]  }
0x2c: {  	s7 =	sld [smem:$0x3FB3]  }
0x2d: {  	s3 =	simm.s32 $0x108;
	s8 =	sld [smem:$0x3FB4]  }
0x2e: {  	s3 =	simm.s32 @!p0 $0x1082;
	s9 =	sld [smem:$0x3FB5]  }
0x2f: {  	lr =	sadd.s32 s0, s3;
	s0 =	sld [smem:$0x3FAC]  }
0x30: {  	s3 =	sld [smem:$0x3FAF]  }
0x31: {  	[smem:$0x3FB8] =	sst s10  }
0x32: {  	s10 =	sld [smem:$0x3FB6];
	_ =	sdelay $0x3  }
0x33: {  	p0 =	seq.s32 s10, $0x1;
	s10 =	sld [smem:$0x3FB8];
	_ =	sdelay $0x3  }
0x34: {  	[smem:$0x3FB8] =	sst s10  }
0x35: {  	s10 =	sld [smem:$0x3FB7];
	_ =	sdelay $0x3  }
0x36: {  	p1 =	seq.s32 s10, $0x1;
	s10 =	sld [smem:$0x3FB8];
	_ =	sdelay $0x3  }
0x37: {  	[smem:$0x3FB8] =	sst s10  }
0x38: {  	s10 =	sld [smem:$0x3FB9]  }
0x39: {  	_ = 	snop;
	(pc) =	sbr.ind lr, $3  }
0x3a: {  	_ = 	snop  }
0x3b: {  	_ = 	snop  }
0x3c: {  	p2 =	seq.s32 s10, $0x1;
	s10 =	sld [smem:$0x3FB8]  }
0x3d: {  	_ =	shalt  }
0x3e: {  	_ =	shalt  }
0x3f: {  	_ =	shalt  }
0x40: {  	_ =	shalt  }
0x41: {  	_ =	shalt  }
0x42: {  	_ =	shalt  }
0x43: {  	_ =	shalt  }
0x44: {  	_ =	shalt  }
0x45: {  	_ =	shalt  }
0x46: {  	_ =	shalt  }
0x47: {  	_ =	shalt  }
0x48: {  	_ =	shalt  }
0x49: {  	_ =	shalt  }
0x4a: {  	_ =	shalt  }
0x4b: {  	_ =	shalt  }
0x4c: {  	_ =	shalt  }
0x4d: {  	_ =	shalt  }
0x4e: {  	_ =	shalt  }
0x4f: {  	_ =	shalt  }
0x50: {  	_ =	shalt  }
0x51: {  	_ =	shalt  }
0x52: {  	_ =	shalt  }
0x53: {  	_ =	shalt  }
0x54: {  	_ =	shalt  }
0x55: {  	_ =	shalt  }
0x56: {  	_ =	shalt  }
0x57: {  	_ =	shalt  }
0x58: {  	_ =	shalt  }
0x59: {  	_ =	shalt  }
0x5a: {  	_ =	shalt  }
0x5b: {  	_ =	shalt  }
0x5c: {  	_ =	shalt  }
0x5d: {  	_ =	shalt  }
0x5e: {  	_ =	shalt  }
0x5f: {  	_ =	shalt  }
0x60: {  	_ =	shalt  }
0x61: {  	_ =	shalt  }
0x62: {  	_ =	shalt  }
0x63: {  	_ =	shalt  }
0x64: {  	_ =	shalt  }
0x65: {  	_ =	shalt  }
0x66: {  	_ =	shalt  }
0x67: {  	_ =	shalt  }
0x68: {  	_ =	shalt  }
0x69: {  	_ =	shalt  }
0x6a: {  	_ =	shalt  }
0x6b: {  	_ =	shalt  }
0x6c: {  	_ =	shalt  }
0x6d: {  	_ =	shalt  }
0x6e: {  	_ =	shalt  }
0x6f: {  	_ =	shalt  }
0x70: {  	_ =	shalt  }
0x71: {  	_ =	shalt  }
0x72: {  	_ =	shalt  }
0x73: {  	_ =	shalt  }
0x74: {  	_ =	shalt  }
0x75: {  	_ =	shalt  }
0x76: {  	_ =	shalt  }
0x77: {  	_ =	shalt  }
0x78: {  	_ =	shalt  }
0x79: {  	_ =	shalt  }
0x7a: {  	_ =	shalt  }
0x7b: {  	_ =	shalt  }
0x7c: {  	_ =	shalt  }
0x7d: {  	_ =	shalt  }
0x7e: {  	_ =	shalt  }
0x7f: {  	_ =	shalt  }
0x80: {  	_ =	shalt  }
0x81: {  	_ =	shalt  }
0x82: {  	_ =	shalt  }
0x83: {  	_ =	shalt  }
0x84: {  	_ =	shalt  }
0x85: {  	_ =	shalt  }
0x86: {  	_ =	shalt  }
0x87: {  	_ =	shalt  }
.Lfunc_end0:
.L_simem_size_0:
called_computation_lowered:
.L_overlay_start_0:
0x88: {  	s2 =	sld [smem:$0x3FD9]  }
0x89: {  	s3 =	sld [smem:$0x3FFE];
	_ =	sdelay $0x1  }
0x8a: {  	s1 =	srdreg.scid  }
0x8b: {  	s0 =	sand.u32 $0x1, s1  }
0x8c: {  	s17 =	sshll.u32 s0, $0xA;
	s2 =	sadd.s32 s3, s2  }
0x8d: {  	s2 =	sadd.s32 s2, s17  }
0x8e: {  	[smem:$0x3FC4] =	sst s2  }
0x8f: {  	_ = 	snop  }
0x90: {  	s2 =	sld [smem:$0x3FD0];
	(tm) =	ssettm $0x1  }
0x91: {  	s18 =	sld [smem:$0x3FFB];
	_ =	sdelay $0x3  }
0x92: {  	_ =	strace s18  }
0x93: {  	s3 =	sld [smem:$0x3FFC];
	_ =	sdelay $0x3  }
0x94: {  	_ =	strace s3  }
0x95: {  	s3 =	sld [smem:$0x3FFD];
	_ =	sdelay $0x3  }
0x96: {  	_ =	strace s3  }
0x97: {  	_ =	strace $0x8FFFFFFF  }
0x98: {  	s19 =	sld [smem:$0x3FDB];
	_ =	sdelay $0x1  }
0x99: {  	s4 =	simm.s32 $_scs_section_size  }
0x9a: {  	s5 =	simm.s32 $_size__tile_overlayer_lowered;
	s6 =	simm.s32 $_tile_overlayer_lowered  }
0x9b: {  	s22 =	simm.s32 $0x1BFF;
	s21 =	sshll.u32 s6, $0x1;
	s3 =	sadd.s32 s4, s19  }
0x9c: {  	s7 =	simm.s32 $0x0;
	s20 =	sshll.u32 s5, $0x1;
	s5 =	sadd.s32 s21, s3  }
0x9d: {  	[timem:s7], [sflag:s22] =	dma.local [hbm:s5], s20  }
0x9e: {  	_ =	swait.ge [sflag:s22], s20  }
0x9f: {  	s4 =	ssub.s32 $0x0, s20;
	[sflag:s22] =	ssyncset.done $0x0  }
0xa0: {  	[sflag:s22] =	ssyncadd.s32 s4;
	_ =	sdelay $0x1  }
0xa1: {  	s23 =	simm.s32 $0x1B8B  }
0xa2: {  	_ =	swait.ge [sflag:s23], $0x1  }
0xa3: {  	[sflag:s23] =	ssyncset.done $0x0  }
0xa4: {  	s25 =	simm.s32 $0x1B8E;
	s24 =	sld [smem:$0x3FFE];
	[sflag:s23] =	ssyncadd.s32 $0xFFFFFFFF  }
0xa5: {  	s26 =	simm.s32 $execute0_lowered;
	[smem:$0x3FD2] =	sst s25  }
0xa6: {  	s5 =	sshll.u32 s26, $0x1;
	_ =	strace $0x80000046;
	[dreg:$0x1] =	wrdreg $0xFFFFFFFF  }
0xa7: {  	s28 =	simm.s32 $_size_execute0_lowered;
	s3 =	sadd.s32 s3, s5;
	[dreg:$0x0] =	wrdreg $0x0  }
0xa8: {  	s5 =	sshll.u32 s28, $0x1;
	[dreg:$0x2] =	wrdreg s3  }
0xa9: {  	[dreg:$0x3] =	wrdreg s5  }
0xaa: {  	[dreg:$0x4] =	wrdreg $0xC0  }
0xab: {  	_ =	task [dreg:s7], $0x5FFFF  }
0xac: {  	[dreg:$0x1] =	wrdreg $0xFFFFFFFF  }
0xad: {  	[dreg:$0x0] =	wrdreg $0x60  }
0xae: {  	[dreg:$0x2] =	wrdreg s24  }
0xaf: {  	[dreg:$0x3] =	wrdreg s2  }
0xb0: {  	[dreg:$0x4] =	wrdreg $0x54000  }
0xb1: {  	[dreg:$0x5] =	wrdreg $0x9  }
0xb2: {  	_ =	task.clear_ibuf [dreg:s7], $0x6FFFF;
	_ =	strace $0x90000046  }
0xb3: {  	s29 =	simm.s32 $0x9;
	_ =	strace $0x80000048  }
0xb4: {  	_ =	swait.ge [sflag:s29], $0x1  }
0xb5: {  	[sflag:s29] =	ssyncadd.s32 $0xFFFFFFFF  }
0xb6: {  	_ =	strace $0x90000048  }
0xb7: {  	_ =	sfence  }
0xb8: {  	s30 =	sld [smem:$0x0];
	_ =	sdelay $0x2  }
0xb9: {  	s31 =	sshll.u32 s1, $0xD;
	s1 =	sshrl.u32 s1, $0x2  }
0xba: {  	s3 =	sand.u32 $0x4000, s31;
	s1 =	sadd.s32 s1, s30  }
0xbb: {  	s0 =	sor.u32 s3, s0;
	s1 =	sshll.u32 s1, $0x11  }
0xbc: {  	s0 =	sor.u32 s1, s0  }
0xbd: {  	s0 =	sadd.s32 $0x8F2B, s0  }
0xbe: {  	[sflag:s0] =	ssyncadd.remote.s32 $0x1  }
0xbf: {  	_ =	sfence.sel $0xFFFF  }
0xc0: {  	[dreg:$0x0] =	wrdreg $0xFFFFFFFF;
	(pc) =	sbr.abs _section_cstart, $3  }
0xc1: {  	[dreg:$0x1] =	wrdreg $0xFFFFFFFF  }
0xc2: {  	_ =	task.clear_ibuf [dreg:s7], $0x2FFFF;
	_ =	strace $0x9FFFFFFF  }
0xc3: {  	(tm) =	ssettm $0x7FFFFFFF  }
tec
execute0_lowered:
.L_overlay_start_1:
0x0: {  	(tag) =	ssettag $0x1  }
0x1: {  	s5 =	rddreg [dreg:$0x0]  }
0x2: {  	s7 =	rddreg [dreg:$0x1]  }
0x3: {  	s0 =	srdreg.scid;
	s2 =	rddreg [dreg:$0x2]  }
0x4: {  	s1 =	stileid.u32;
	s3 =	simm.s32 $0x0;
	s14 =	simm.s32 $0x80  }
0x5: {  	s4 =	sand.u32 $0x1, s0;
	s0 =	rddreg [dreg:$0x3];
	s11 =	smul.u32 $0x14000, s1  }
0x6: {  	s17 =	simm.s32 $0x0;
	[smem:$0x7FF] =	sst s3;
	s31 =	smul.u32 $0x50000, s1  }
0x7: {  	s15 =	sadd.s32 $0x12C000, s2;
	s12 =	sshll.u32 s1, $0x6;
	p0 =	seq.s32 s1, $0xF  }
0x8: {  	s6 =	sshll.u32 s4, $0x4;
	_ =	strace $0x80000047;
	s8 =	ssub.s32 $0x2, s4  }
0x9: {  	s9 =	smul.u32 $0x138800, s4;
	s4 =	sadd.s32 $0x6E00, s5;
	s12 =	sor.u32 $0x1C01, s12  }
0xa: {  	s15 =	sshrl.u32 @p0 s15, $0x3;
	s6 =	sor.u32 s1, s6;
	s10 =	sshrl.u32 s8, $0x1  }
0xb: {  	s6 =	smul.u32 $0x280, s6;
	s10 =	ssub.s32 s8, s10;
	s11 =	sadd.s32 s11, s9  }
0xc: {  	s9 =	sshrl.u32 s9, $0x3;
	s8 =	sshrl.u32 s31, $0x2;
	s11 =	sshrl.u32 s11, $0x3  }
0xd: {  	s9 =	sadd.s32 s7, s9;
	s16 =	sadd.s32 s8, s2;
	s6 =	sadd.s32 s6, s5  }
0xe: {  	s5 =	sadd.s32 $0x6600, s5;
	s7 =	sadd.s32 s7, s11;
	s8 =	sadd.s32 $0x25800, s9  }
0xf: {  	s9 =	smax.u32 s10, $0x1;
	s10 =	simm.s32 $0x1;
	s11 =	simm.s32 $0x1400  }
0x10: {  	s13 =	sshrl.u32 s16, $0x3;
	s16 =	sshrl.u32 @!p0 s16, $0x3;
	s6 =	sadd.s32 $0x1600, s6  }
.LBB2_1:
0x11: {  	[tilespmem:s3], [sflag:$0x1] =	stream.linear.gather [hbm4b:s6+s3], $0x1400, $0x38;
	[tilespmem:$0x19400] =	vst v63  }
0x12: {  	_ =	swait.ge [sflag:s10], $0x1400  }
0x13: {  	[sflag:s10] =	ssyncset.done $0x0  }
0x14: {  	[sflag:s10] =	ssyncadd.s32 $0xFFFFEC00  }
0x15: {  	[tilespmem:s11], [sflag:$0x1] =	stream.linear.gather [hbm4b:s5+s3], $0x4000, $0x38;
	[tilespmem:$0x19400] =	vst v63  }
0x16: {  	_ =	swait.ge [sflag:s10], $0x4000  }
0x17: {  	[sflag:s10] =	ssyncset.done $0x0  }
0x18: {  	[sflag:s10] =	ssyncadd.s32 $0xFFFFC000  }
0x19: {  	[spmem:s13], [sflag:s12] =	dma.local [hbm:s4], $0x2800  }
0x1a: {  	_ =	swait.ge [sflag:s10], $0x2800  }
0x1b: {  	[sflag:s10] =	ssyncset.done $0x0  }
0x1c: {  	[sflag:s10] =	ssyncadd.s32 $0xFFFFD800  }
0x1d: {  	s18 =	simm.s32 $0x0;
	[bflag:$0x0] =	sbarrier.arrive $0xFFFF  }
0x1e: {  	[spmem:s2] =	stream.indirect.scatter.add.f32 [tilespmem:s11], [sflag:$0x1], $0x80, s18, s14, $0xb8;
	[tilespmem:$0x19400] =	vst v63  }
0x1f: {  	_ =	swait.ge [sflag:s10], $0x4000  }
0x20: {  	s18 =	simm.s32 $0x200;
	[sflag:s10] =	ssyncset.done $0x0  }
.LBB2_2:
0x21: {  	s19 =	sshra.s32 s18, $0x2;
	[sflag:s10] =	ssyncadd.s32 $0xFFFFC000;
	p1 =	sne.s32 s18, $0x4E00  }
0x22: {  	[spmem:s2] =	stream.indirect.scatter.add.f32 [tilespmem:s11], [sflag:$0x1], $0x80, s19, s14, $0xb8;
	[tilespmem:$0x19400] =	vst v63  }
.Ltmp0:
0x23: {  	_ = 	snop;
	(pc) =	sbr.rel @p1 .LBB2_2-.Ltmp0, $4  }
0x24: {  	_ = 	snop  }
0x25: {  	s18 =	sadd.s32 $0x200, s18  }
0x26: {  	_ =	swait.ge [sflag:s10], $0x4000  }
0x27: {  	[sflag:s10] =	ssyncset.done $0x0  }
0x28: {  	[sflag:s10] =	ssyncadd.s32 $0xFFFFC000  }
0x29: {  	s18 =	simm.s32 @p0 $0x1;
	[bflag:$0x0] =	sbarrier.arrive $0xFFFF  }
0x2a: {  	[hbm:s8], [sflag:s12] =	dma.local @p0 [spmem:s15], $0x1900  }
0x2b: {  	s17 =	sadd.s32 $0x1, s17;
	_ =	swait.ge @p0 [sflag:s18], $0x1900  }
0x2c: {  	p1 =	sne.s32 s17, s9;
	[sflag:s18] =	ssyncset.done @p0 $0x0  }
.Ltmp1:
0x2d: {  	[sflag:s18] =	ssyncadd.s32 @p0 $0xFFFFE700;
	s18 =	simm.s32 @!p0 $0x1;
	(pc) =	sbr.rel @p1 .LBB2_1-.Ltmp1, $4  }
0x2e: {  	[hbm:s7], [sflag:s12] =	dma.local @!p0 [spmem:s16], $0x2800  }
0x2f: {  	_ =	swait.ge @!p0 [sflag:s18], $0x2800  }
0x30: {  	[sflag:s18] =	ssyncset.done @!p0 $0x0  }
0x31: {  	[sflag:s18] =	ssyncadd.s32 @!p0 $0xFFFFD800  }
0x32: {  	_ =	sfence.sel $0x180000  }
0x33: {  	[bflag:$0x0] =	sbarrier.arrive $0xFFFF  }
0x34: {  	p0 =	sne.s32 s1, $0x0;
	_ =	strace $0x90000047  }
0x35: {  	s0 =	sadd.s32 @!p0 $0x100000, s0;
	[bflag:$0x2] =	sbarrier.arrive $0xFFFF  }
0x36: {  	[sflag:s0] =	ssyncadd.tile.s32 @!p0 $0x1;
	_ =	shalt  }
.Lfunc_end2:
_tile_overlayer_lowered:
.L_overlay_start_2:
0x37: {  	(tag) =	ssettag $0x2  }
0x38: {  	s0 =	rddreg [dreg:$0x0];
	s2 =	stileid.u32  }
0x39: {  	s1 =	rddreg [dreg:$0x1];
	p0 =	sne.s32 s2, $0x0  }
0x3a: {  	s3 =	rddreg [dreg:$0x2];
	[bflag:$0x3] =	sbarrier.arrive $0xFFFF;
	s2 =	simm.s32 @!p0 $0x1C01  }
0x3b: {  	[timem:s3], [sflag:s2] =	dma.local @!p0 [hbm:s0], s1  }
0x3c: {  	s0 =	simm.s32 @!p0 $0x1  }
0x3d: {  	_ =	swait.ge @!p0 [sflag:s0], s1  }
0x3e: {  	s1 =	ssub.s32 @!p0 $0x0, s1;
	[sflag:s0] =	ssyncset.done @!p0 $0x0  }
0x3f: {  	[sflag:s0] =	ssyncadd.s32 @!p0 s1  }
0x40: {  	[bflag:$0x3] =	sbarrier.arrive $0xFFFF  }
0x41: {  	_ =	shalt  }

</sc_bundles>
